<compile_context>
chip_gen: v7x
topology: tpu7x:2x2x1
jax: 0.10.2.dev20260603
libtpu: 0.0.44.dev20260713+nightly
codegen_flags: <defaults>
</compile_context>

<pallas_src>
import functools

import jax
import jax.numpy as jnp
from jax import lax
from jax.experimental import pallas as pl
from jax.experimental.pallas import tpu as pltpu
from jax.experimental.pallas import tpu_sc as plsc

BPW = 128


@functools.cache
def _make_gather(V, S, D, B):
    info = plsc.get_sparse_core_info()
    NC, NS = info.num_cores, info.num_subcores
    NW = NC * NS
    assert B == NW * BPW
    n_ch = S
    NBUF = 6
    DEPTH = 3
    assert n_ch >= 2 * NBUF
    n_main = (n_ch - 2 * DEPTH) // NBUF
    n_back = n_ch - DEPTH - NBUF * n_main
    assert n_back >= DEPTH
    mesh = plsc.VectorSubcoreMesh(core_axis_name="c", subcore_axis_name="s")

    @functools.partial(
        pl.kernel,
        mesh=mesh,
        out_type=jax.ShapeDtypeStruct((S, B, D), jnp.float32),
        scratch_types=[
            pltpu.VMEM((S, 1, BPW), jnp.int32),
            pltpu.VMEM((NBUF, BPW, D), jnp.float32),
        ] + [pltpu.SemaphoreType.DMA] * (2 * NBUF),
    )
    def gather_kernel(ids_hbm, table_hbm, out_hbm, idx_v, bufs, *sems):
        sgs = sems[:NBUF]
        sss = sems[NBUF:]
        wid = lax.axis_index("s") * NC + lax.axis_index("c")
        base = wid * BPW
        pltpu.sync_copy(ids_hbm.at[wid], idx_v)

        def start_gather(j, b):
            pltpu.async_copy(table_hbm.at[idx_v.at[j, 0]], bufs.at[b], sgs[b])

        def wait_gather(b):
            pltpu.make_async_copy(
                table_hbm.at[idx_v.at[0, 0]], bufs.at[b], sgs[b]).wait()

        def start_store(j, b):
            pltpu.async_copy(
                bufs.at[b], out_hbm.at[j, pl.ds(base, BPW)], sss[b])

        def wait_store(b):
            pltpu.make_async_copy(
                bufs.at[b], out_hbm.at[0, pl.ds(base, BPW)], sss[b]).wait()

        for j in range(DEPTH):
            start_gather(j, j % NBUF)
        for j in range(DEPTH):
            start_gather(j + DEPTH, (j + DEPTH) % NBUF)
            wait_gather(j % NBUF)
            start_store(j, j % NBUF)

        def body(g, carry):
            j0 = DEPTH + NBUF * g
            for i in range(NBUF):
                b = (DEPTH + i) % NBUF
                wait_store((DEPTH + i + DEPTH) % NBUF)
                start_gather(j0 + i + DEPTH, (DEPTH + i + DEPTH) % NBUF)
                wait_gather(b)
                start_store(j0 + i, b)
            return carry

        lax.fori_loop(0, n_main, body, 0)

        for j in range(n_ch - n_back, n_ch):
            b = j % NBUF
            if j + DEPTH < n_ch:
                wait_store((j + DEPTH) % NBUF)
                start_gather(j + DEPTH, (j + DEPTH) % NBUF)
            wait_gather(b)
            start_store(j, b)
        for j in range(n_ch - NBUF, n_ch):
            wait_store(j % NBUF)

    return gather_kernel


def kernel(ids, weight):
    B, S = ids.shape
    V, D = weight.shape
    ids_t = (ids.astype(jnp.int32)
             .reshape(B // BPW, BPW, S)
             .transpose(0, 2, 1)
             .reshape(B // BPW, S, 1, BPW))
    out_sbd = _make_gather(V, S, D, B)(ids_t, weight)
    return out_sbd.transpose(1, 0, 2)

# --- scband reference (transcript-rebuilt; emitter-appended) ---
"""Pipeline reference for scband-embedding-48112223650571 (READ-ONLY COPY).

The authoritative reference and input builder live on the scoring server;
editing this copy changes nothing except your own understanding.
"""

import jax, jax.numpy as jnp
import numpy as np
import math

NUM_EMBEDDINGS = 100000
EMBEDDING_DIM = 128

def setup_inputs(seed: int = 0) -> dict:
    key = jax.random.key(seed)
    k_ids, k_w = jax.random.split(key)
    ids = jax.random.randint(k_ids, (4096, 50), 0, NUM_EMBEDDINGS, dtype=jnp.int64 if jax.config.jax_enable_x64 else jnp.int32)
    std = math.sqrt(2.0 / (NUM_EMBEDDINGS + EMBEDDING_DIM))
    # truncated normal in [-3*std, 3*std] with std scaling (matches trunc_normal_ init)
    weight = jax.random.truncated_normal(k_w, -3.0, 3.0, (NUM_EMBEDDINGS, EMBEDDING_DIM), dtype=jnp.float32) * std
    return {"ids": ids, "weight": weight}

def reference(ids, weight):
    # Faithful translation of Embedding.forward
    assert ids.ndim < 3
    if ids.ndim == 1:
        out = jnp.take(weight, ids, axis=0)
    else:
        b, seq_len = ids.shape
        flat = ids.reshape(b * seq_len)
        out = jnp.take(weight, flat, axis=0)
        out = out.reshape(b, seq_len, weight.shape[-1])
    return out

if __name__ == "__main__":
    import jax
    _d = setup_inputs()
    print(jax.jit(kernel)(*tuple(_d.values())))

</pallas_src>

<mosaic_0001>
#map = affine_map<(d0, d1) -> (0, 0, 0, 0)>
#map1 = affine_map<(d0, d1) -> (0, 0)>
#map2 = affine_map<(d0, d1) -> (0, 0, 0)>
module attributes {stable_mosaic.version = 14 : i64} {
  func.func @gather_kernel(%arg0: i32, %arg1: i32, %arg2: memref<32x50x1x128xi32, #tpu.memory_space<hbm>>, %arg3: memref<100000x128xf32, #tpu.memory_space<hbm>>, %arg4: memref<50x4096x128xf32, #tpu.memory_space<hbm>>, %arg5: memref<50x1x128xi32, #tpu.memory_space<vmem>>, %arg6: memref<6x128x128xf32, #tpu.memory_space<vmem>>, %arg7: memref<!tpu.dma_semaphore, #tpu.memory_space<semaphore_mem>>, %arg8: memref<!tpu.dma_semaphore, #tpu.memory_space<semaphore_mem>>, %arg9: memref<!tpu.dma_semaphore, #tpu.memory_space<semaphore_mem>>, %arg10: memref<!tpu.dma_semaphore, #tpu.memory_space<semaphore_mem>>, %arg11: memref<!tpu.dma_semaphore, #tpu.memory_space<semaphore_mem>>, %arg12: memref<!tpu.dma_semaphore, #tpu.memory_space<semaphore_mem>>, %arg13: memref<!tpu.dma_semaphore, #tpu.memory_space<semaphore_mem>>, %arg14: memref<!tpu.dma_semaphore, #tpu.memory_space<semaphore_mem>>, %arg15: memref<!tpu.dma_semaphore, #tpu.memory_space<semaphore_mem>>, %arg16: memref<!tpu.dma_semaphore, #tpu.memory_space<semaphore_mem>>, %arg17: memref<!tpu.dma_semaphore, #tpu.memory_space<semaphore_mem>>, %arg18: memref<!tpu.dma_semaphore, #tpu.memory_space<semaphore_mem>>) attributes {dimension_semantics = [#tpu.dimension_semantics<core_parallel>, #tpu.dimension_semantics<subcore_parallel>], iteration_bounds = array<i64: 2, 16>, scalar_prefetch = 0 : i64, scratch_operands = 14 : i64, tpu.core_type = #tpu.core_type<sc_vector_subcore>, window_params = [{transform_indices = #map}, {transform_indices = #map1}, {transform_indices = #map2}]} {
    %mul3A = arith.constant 2 : i32
    %mul3A_0 = arith.muli %arg1, %mul3A : i32
    %add3A = arith.addi %mul3A_0, %arg0 : i32
    %mul3A_1 = arith.constant 128 : i32
    %mul3A_2 = arith.muli %add3A, %mul3A_1 : i32
    "tpu.region"() ({
      %run_scoped3A = tpu.sem_alloc : memref<!tpu.dma_semaphore, #tpu.memory_space<semaphore_mem>>
      %dma_start3A_470 = arith.constant 0 : i32
      %dma_start3A_471 = arith.constant 0 : i32
      %dma_start3A_472 = arith.constant 0 : i32
      %dma_start3A_473 = tpu.memref_slice %arg2[%add3A, %dma_start3A_470, %dma_start3A_471, %dma_start3A_472] : memref<32x50x1x128xi32, #tpu.memory_space<hbm>> -> memref<1x50x1x128xi32, #tpu.memory_space<hbm>>
      %dma_start3A_474 = tpu.memref_squeeze %dma_start3A_473 : memref<1x50x1x128xi32, #tpu.memory_space<hbm>> -> memref<50x1x128xi32, #tpu.memory_space<hbm>>
      %dma_start3A_475 = arith.constant 0 : i32
      %dma_start3A_476 = arith.constant 0 : i32
      %dma_start3A_477 = arith.constant 0 : i32
      %dma_start3A_478 = tpu.memref_slice %arg2[%add3A, %dma_start3A_475, %dma_start3A_476, %dma_start3A_477] : memref<32x50x1x128xi32, #tpu.memory_space<hbm>> -> memref<1x50x1x128xi32, #tpu.memory_space<hbm>>
      %dma_start3A_479 = tpu.memref_squeeze %dma_start3A_478 : memref<1x50x1x128xi32, #tpu.memory_space<hbm>> -> memref<50x1x128xi32, #tpu.memory_space<hbm>>
      tpu.enqueue_dma source(%dma_start3A_479 : memref<50x1x128xi32, #tpu.memory_space<hbm>>) target(%arg5 : memref<50x1x128xi32, #tpu.memory_space<vmem>>) target_semaphore(%run_scoped3A : memref<!tpu.dma_semaphore, #tpu.memory_space<semaphore_mem>>)
      %dma_wait3A_480 = arith.constant 0 : i32
      %dma_wait3A_481 = arith.constant 0 : i32
      %dma_wait3A_482 = arith.constant 0 : i32
      %dma_wait3A_483 = tpu.memref_slice %arg2[%add3A, %dma_wait3A_480, %dma_wait3A_481, %dma_wait3A_482] : memref<32x50x1x128xi32, #tpu.memory_space<hbm>> -> memref<1x50x1x128xi32, #tpu.memory_space<hbm>>
      %dma_wait3A_484 = tpu.memref_squeeze %dma_wait3A_483 : memref<1x50x1x128xi32, #tpu.memory_space<hbm>> -> memref<50x1x128xi32, #tpu.memory_space<hbm>>
      %dma_wait3A_485 = arith.constant 0 : i32
      %dma_wait3A_486 = arith.constant 0 : i32
      %dma_wait3A_487 = arith.constant 0 : i32
      %dma_wait3A_488 = tpu.memref_slice %arg2[%add3A, %dma_wait3A_485, %dma_wait3A_486, %dma_wait3A_487] : memref<32x50x1x128xi32, #tpu.memory_space<hbm>> -> memref<1x50x1x128xi32, #tpu.memory_space<hbm>>
      %dma_wait3A_489 = tpu.memref_squeeze %dma_wait3A_488 : memref<1x50x1x128xi32, #tpu.memory_space<hbm>> -> memref<50x1x128xi32, #tpu.memory_space<hbm>>
      tpu.wait_dma2 semaphore(%run_scoped3A : memref<!tpu.dma_semaphore, #tpu.memory_space<semaphore_mem>>) src(%dma_wait3A_489 : memref<50x1x128xi32, #tpu.memory_space<hbm>>) dst(%arg5 : memref<50x1x128xi32, #tpu.memory_space<vmem>>)
      tpu.yield
    }) : () -> ()
    %dma_start3A = arith.constant 0 : i32
    %dma_start3A_3 = arith.constant 0 : i32
    %dma_start3A_4 = arith.constant 0 : i32
    %dma_start3A_5 = arith.constant 0 : i32
    %dma_start3A_6 = arith.constant 0 : i32
    %dma_start3A_7 = tpu.memref_slice %arg6[%dma_start3A_4, %dma_start3A_5, %dma_start3A_6] : memref<6x128x128xf32, #tpu.memory_space<vmem>> -> memref<1x128x128xf32, #tpu.memory_space<vmem>>
    %dma_start3A_8 = tpu.memref_squeeze %dma_start3A_7 : memref<1x128x128xf32, #tpu.memory_space<vmem>> -> memref<128x128xf32, #tpu.memory_space<vmem>>
    %dma_start3A_9 = arith.constant 0 : i32
    %dma_start3A_10 = tpu.memref_slice %arg5[%dma_start3A, %dma_start3A_3, %dma_start3A_9] : memref<50x1x128xi32, #tpu.memory_space<vmem>> -> memref<1x1x128xi32, #tpu.memory_space<vmem>>
    %dma_start3A_11 = tpu.memref_squeeze %dma_start3A_10 : memref<1x1x128xi32, #tpu.memory_space<vmem>> -> memref<128xi32, #tpu.memory_space<vmem>>
    %dma_start3A_12 = arith.constant 0 : i32
    %dma_start3A_13 = arith.constant 0 : i32
    %dma_start3A_14 = tpu.memref_slice %arg3[%dma_start3A_12, %dma_start3A_13] : memref<100000x128xf32, #tpu.memory_space<hbm>> -> memref<100000x128xf32, #tpu.memory_space<hbm>>
    tpu.enqueue_indirect_dma source(%dma_start3A_14 : memref<100000x128xf32, #tpu.memory_space<hbm>>) target(%dma_start3A_8 : memref<128x128xf32, #tpu.memory_space<vmem>>) offsets(%dma_start3A_11 : memref<128xi32, #tpu.memory_space<vmem>>) semaphore(%arg7 : memref<!tpu.dma_semaphore, #tpu.memory_space<semaphore_mem>>)
    %dma_start3A_15 = arith.constant 1 : i32
    %dma_start3A_16 = arith.constant 0 : i32
    %dma_start3A_17 = arith.constant 1 : i32
    %dma_start3A_18 = arith.constant 0 : i32
    %dma_start3A_19 = arith.constant 0 : i32
    %dma_start3A_20 = tpu.memref_slice %arg6[%dma_start3A_17, %dma_start3A_18, %dma_start3A_19] : memref<6x128x128xf32, #tpu.memory_space<vmem>> -> memref<1x128x128xf32, #tpu.memory_space<vmem>>
    %dma_start3A_21 = tpu.memref_squeeze %dma_start3A_20 : memref<1x128x128xf32, #tpu.memory_space<vmem>> -> memref<128x128xf32, #tpu.memory_space<vmem>>
    %dma_start3A_22 = arith.constant 0 : i32
    %dma_start3A_23 = tpu.memref_slice %arg5[%dma_start3A_15, %dma_start3A_16, %dma_start3A_22] : memref<50x1x128xi32, #tpu.memory_space<vmem>> -> memref<1x1x128xi32, #tpu.memory_space<vmem>>
    %dma_start3A_24 = tpu.memref_squeeze %dma_start3A_23 : memref<1x1x128xi32, #tpu.memory_space<vmem>> -> memref<128xi32, #tpu.memory_space<vmem>>
    %dma_start3A_25 = arith.constant 0 : i32
    %dma_start3A_26 = arith.constant 0 : i32
    %dma_start3A_27 = tpu.memref_slice %arg3[%dma_start3A_25, %dma_start3A_26] : memref<100000x128xf32, #tpu.memory_space<hbm>> -> memref<100000x128xf32, #tpu.memory_space<hbm>>
    tpu.enqueue_indirect_dma source(%dma_start3A_27 : memref<100000x128xf32, #tpu.memory_space<hbm>>) target(%dma_start3A_21 : memref<128x128xf32, #tpu.memory_space<vmem>>) offsets(%dma_start3A_24 : memref<128xi32, #tpu.memory_space<vmem>>) semaphore(%arg8 : memref<!tpu.dma_semaphore, #tpu.memory_space<semaphore_mem>>)
    %dma_start3A_28 = arith.constant 2 : i32
    %dma_start3A_29 = arith.constant 0 : i32
    %dma_start3A_30 = arith.constant 2 : i32
    %dma_start3A_31 = arith.constant 0 : i32
    %dma_start3A_32 = arith.constant 0 : i32
    %dma_start3A_33 = tpu.memref_slice %arg6[%dma_start3A_30, %dma_start3A_31, %dma_start3A_32] : memref<6x128x128xf32, #tpu.memory_space<vmem>> -> memref<1x128x128xf32, #tpu.memory_space<vmem>>
    %dma_start3A_34 = tpu.memref_squeeze %dma_start3A_33 : memref<1x128x128xf32, #tpu.memory_space<vmem>> -> memref<128x128xf32, #tpu.memory_space<vmem>>
    %dma_start3A_35 = arith.constant 0 : i32
    %dma_start3A_36 = tpu.memref_slice %arg5[%dma_start3A_28, %dma_start3A_29, %dma_start3A_35] : memref<50x1x128xi32, #tpu.memory_space<vmem>> -> memref<1x1x128xi32, #tpu.memory_space<vmem>>
    %dma_start3A_37 = tpu.memref_squeeze %dma_start3A_36 : memref<1x1x128xi32, #tpu.memory_space<vmem>> -> memref<128xi32, #tpu.memory_space<vmem>>
    %dma_start3A_38 = arith.constant 0 : i32
    %dma_start3A_39 = arith.constant 0 : i32
    %dma_start3A_40 = tpu.memref_slice %arg3[%dma_start3A_38, %dma_start3A_39] : memref<100000x128xf32, #tpu.memory_space<hbm>> -> memref<100000x128xf32, #tpu.memory_space<hbm>>
    tpu.enqueue_indirect_dma source(%dma_start3A_40 : memref<100000x128xf32, #tpu.memory_space<hbm>>) target(%dma_start3A_34 : memref<128x128xf32, #tpu.memory_space<vmem>>) offsets(%dma_start3A_37 : memref<128xi32, #tpu.memory_space<vmem>>) semaphore(%arg9 : memref<!tpu.dma_semaphore, #tpu.memory_space<semaphore_mem>>)
    %dma_start3A_41 = arith.constant 3 : i32
    %dma_start3A_42 = arith.constant 0 : i32
    %dma_start3A_43 = arith.constant 3 : i32
    %dma_start3A_44 = arith.constant 0 : i32
    %dma_start3A_45 = arith.constant 0 : i32
    %dma_start3A_46 = tpu.memref_slice %arg6[%dma_start3A_43, %dma_start3A_44, %dma_start3A_45] : memref<6x128x128xf32, #tpu.memory_space<vmem>> -> memref<1x128x128xf32, #tpu.memory_space<vmem>>
    %dma_start3A_47 = tpu.memref_squeeze %dma_start3A_46 : memref<1x128x128xf32, #tpu.memory_space<vmem>> -> memref<128x128xf32, #tpu.memory_space<vmem>>
    %dma_start3A_48 = arith.constant 0 : i32
    %dma_start3A_49 = tpu.memref_slice %arg5[%dma_start3A_41, %dma_start3A_42, %dma_start3A_48] : memref<50x1x128xi32, #tpu.memory_space<vmem>> -> memref<1x1x128xi32, #tpu.memory_space<vmem>>
    %dma_start3A_50 = tpu.memref_squeeze %dma_start3A_49 : memref<1x1x128xi32, #tpu.memory_space<vmem>> -> memref<128xi32, #tpu.memory_space<vmem>>
    %dma_start3A_51 = arith.constant 0 : i32
    %dma_start3A_52 = arith.constant 0 : i32
    %dma_start3A_53 = tpu.memref_slice %arg3[%dma_start3A_51, %dma_start3A_52] : memref<100000x128xf32, #tpu.memory_space<hbm>> -> memref<100000x128xf32, #tpu.memory_space<hbm>>
    tpu.enqueue_indirect_dma source(%dma_start3A_53 : memref<100000x128xf32, #tpu.memory_space<hbm>>) target(%dma_start3A_47 : memref<128x128xf32, #tpu.memory_space<vmem>>) offsets(%dma_start3A_50 : memref<128xi32, #tpu.memory_space<vmem>>) semaphore(%arg10 : memref<!tpu.dma_semaphore, #tpu.memory_space<semaphore_mem>>)
    %dma_wait3A = arith.constant 0 : i32
    %dma_wait3A_54 = arith.constant 0 : i32
    %dma_wait3A_55 = arith.constant 0 : i32
    %dma_wait3A_56 = arith.constant 0 : i32
    %dma_wait3A_57 = arith.constant 0 : i32
    %dma_wait3A_58 = tpu.memref_slice %arg6[%dma_wait3A_55, %dma_wait3A_56, %dma_wait3A_57] : memref<6x128x128xf32, #tpu.memory_space<vmem>> -> memref<1x128x128xf32, #tpu.memory_space<vmem>>
    %dma_wait3A_59 = tpu.memref_squeeze %dma_wait3A_58 : memref<1x128x128xf32, #tpu.memory_space<vmem>> -> memref<128x128xf32, #tpu.memory_space<vmem>>
    %dma_wait3A_60 = arith.constant 0 : i32
    %dma_wait3A_61 = tpu.memref_slice %arg5[%dma_wait3A, %dma_wait3A_54, %dma_wait3A_60] : memref<50x1x128xi32, #tpu.memory_space<vmem>> -> memref<1x1x128xi32, #tpu.memory_space<vmem>>
    %dma_wait3A_62 = tpu.memref_squeeze %dma_wait3A_61 : memref<1x1x128xi32, #tpu.memory_space<vmem>> -> memref<128xi32, #tpu.memory_space<vmem>>
    %dma_wait3A_63 = arith.constant 0 : i32
    %dma_wait3A_64 = arith.constant 0 : i32
    %dma_wait3A_65 = tpu.memref_slice %arg3[%dma_wait3A_63, %dma_wait3A_64] : memref<100000x128xf32, #tpu.memory_space<hbm>> -> memref<100000x128xf32, #tpu.memory_space<hbm>>
    tpu.wait_indirect_dma semaphore(%arg7 : memref<!tpu.dma_semaphore, #tpu.memory_space<semaphore_mem>>) src(%dma_wait3A_65 : memref<100000x128xf32, #tpu.memory_space<hbm>>) dst(%dma_wait3A_59 : memref<128x128xf32, #tpu.memory_space<vmem>>)
    %dma_start3A_66 = arith.constant 0 : i32
    %dma_start3A_67 = arith.constant 0 : i32
    %dma_start3A_68 = arith.constant 0 : i32
    %dma_start3A_69 = arith.constant 0 : i32
    %dma_start3A_70 = tpu.memref_slice %arg6[%dma_start3A_66, %dma_start3A_68, %dma_start3A_69] : memref<6x128x128xf32, #tpu.memory_space<vmem>> -> memref<1x128x128xf32, #tpu.memory_space<vmem>>
    %dma_start3A_71 = tpu.memref_squeeze %dma_start3A_70 : memref<1x128x128xf32, #tpu.memory_space<vmem>> -> memref<128x128xf32, #tpu.memory_space<vmem>>
    %dma_start3A_72 = arith.constant 0 : i32
    %dma_start3A_73 = tpu.memref_slice %arg4[%dma_start3A_67, %mul3A_2, %dma_start3A_72] : memref<50x4096x128xf32, #tpu.memory_space<hbm>> -> memref<1x128x128xf32, #tpu.memory_space<hbm>>
    %dma_start3A_74 = tpu.memref_squeeze %dma_start3A_73 : memref<1x128x128xf32, #tpu.memory_space<hbm>> -> memref<128x128xf32, #tpu.memory_space<hbm>>
    %dma_start3A_75 = arith.constant 0 : i32
    %dma_start3A_76 = tpu.memref_slice %arg4[%dma_start3A_67, %mul3A_2, %dma_start3A_75] : memref<50x4096x128xf32, #tpu.memory_space<hbm>> -> memref<1x128x128xf32, #tpu.memory_space<hbm>>
    %dma_start3A_77 = tpu.memref_squeeze %dma_start3A_76 : memref<1x128x128xf32, #tpu.memory_space<hbm>> -> memref<128x128xf32, #tpu.memory_space<hbm>>
    %dma_start3A_78 = arith.constant 0 : i32
    %dma_start3A_79 = arith.constant 0 : i32
    %dma_start3A_80 = tpu.memref_slice %arg6[%dma_start3A_66, %dma_start3A_78, %dma_start3A_79] : memref<6x128x128xf32, #tpu.memory_space<vmem>> -> memref<1x128x128xf32, #tpu.memory_space<vmem>>
    %dma_start3A_81 = tpu.memref_squeeze %dma_start3A_80 : memref<1x128x128xf32, #tpu.memory_space<vmem>> -> memref<128x128xf32, #tpu.memory_space<vmem>>
    tpu.enqueue_dma source(%dma_start3A_81 : memref<128x128xf32, #tpu.memory_space<vmem>>) target(%dma_start3A_77 : memref<128x128xf32, #tpu.memory_space<hbm>>) target_semaphore(%arg13 : memref<!tpu.dma_semaphore, #tpu.memory_space<semaphore_mem>>)
    %dma_start3A_82 = arith.constant 4 : i32
    %dma_start3A_83 = arith.constant 0 : i32
    %dma_start3A_84 = arith.constant 4 : i32
    %dma_start3A_85 = arith.constant 0 : i32
    %dma_start3A_86 = arith.constant 0 : i32
    %dma_start3A_87 = tpu.memref_slice %arg6[%dma_start3A_84, %dma_start3A_85, %dma_start3A_86] : memref<6x128x128xf32, #tpu.memory_space<vmem>> -> memref<1x128x128xf32, #tpu.memory_space<vmem>>
    %dma_start3A_88 = tpu.memref_squeeze %dma_start3A_87 : memref<1x128x128xf32, #tpu.memory_space<vmem>> -> memref<128x128xf32, #tpu.memory_space<vmem>>
    %dma_start3A_89 = arith.constant 0 : i32
    %dma_start3A_90 = tpu.memref_slice %arg5[%dma_start3A_82, %dma_start3A_83, %dma_start3A_89] : memref<50x1x128xi32, #tpu.memory_space<vmem>> -> memref<1x1x128xi32, #tpu.memory_space<vmem>>
    %dma_start3A_91 = tpu.memref_squeeze %dma_start3A_90 : memref<1x1x128xi32, #tpu.memory_space<vmem>> -> memref<128xi32, #tpu.memory_space<vmem>>
    %dma_start3A_92 = arith.constant 0 : i32
    %dma_start3A_93 = arith.constant 0 : i32
    %dma_start3A_94 = tpu.memref_slice %arg3[%dma_start3A_92, %dma_start3A_93] : memref<100000x128xf32, #tpu.memory_space<hbm>> -> memref<100000x128xf32, #tpu.memory_space<hbm>>
    tpu.enqueue_indirect_dma source(%dma_start3A_94 : memref<100000x128xf32, #tpu.memory_space<hbm>>) target(%dma_start3A_88 : memref<128x128xf32, #tpu.memory_space<vmem>>) offsets(%dma_start3A_91 : memref<128xi32, #tpu.memory_space<vmem>>) semaphore(%arg11 : memref<!tpu.dma_semaphore, #tpu.memory_space<semaphore_mem>>)
    %dma_wait3A_95 = arith.constant 0 : i32
    %dma_wait3A_96 = arith.constant 0 : i32
    %dma_wait3A_97 = arith.constant 1 : i32
    %dma_wait3A_98 = arith.constant 0 : i32
    %dma_wait3A_99 = arith.constant 0 : i32
    %dma_wait3A_100 = tpu.memref_slice %arg6[%dma_wait3A_97, %dma_wait3A_98, %dma_wait3A_99] : memref<6x128x128xf32, #tpu.memory_space<vmem>> -> memref<1x128x128xf32, #tpu.memory_space<vmem>>
    %dma_wait3A_101 = tpu.memref_squeeze %dma_wait3A_100 : memref<1x128x128xf32, #tpu.memory_space<vmem>> -> memref<128x128xf32, #tpu.memory_space<vmem>>
    %dma_wait3A_102 = arith.constant 0 : i32
    %dma_wait3A_103 = tpu.memref_slice %arg5[%dma_wait3A_95, %dma_wait3A_96, %dma_wait3A_102] : memref<50x1x128xi32, #tpu.memory_space<vmem>> -> memref<1x1x128xi32, #tpu.memory_space<vmem>>
    %dma_wait3A_104 = tpu.memref_squeeze %dma_wait3A_103 : memref<1x1x128xi32, #tpu.memory_space<vmem>> -> memref<128xi32, #tpu.memory_space<vmem>>
    %dma_wait3A_105 = arith.constant 0 : i32
    %dma_wait3A_106 = arith.constant 0 : i32
    %dma_wait3A_107 = tpu.memref_slice %arg3[%dma_wait3A_105, %dma_wait3A_106] : memref<100000x128xf32, #tpu.memory_space<hbm>> -> memref<100000x128xf32, #tpu.memory_space<hbm>>
    tpu.wait_indirect_dma semaphore(%arg8 : memref<!tpu.dma_semaphore, #tpu.memory_space<semaphore_mem>>) src(%dma_wait3A_107 : memref<100000x128xf32, #tpu.memory_space<hbm>>) dst(%dma_wait3A_101 : memref<128x128xf32, #tpu.memory_space<vmem>>)
    %dma_start3A_108 = arith.constant 1 : i32
    %dma_start3A_109 = arith.constant 1 : i32
    %dma_start3A_110 = arith.constant 0 : i32
    %dma_start3A_111 = arith.constant 0 : i32
    %dma_start3A_112 = tpu.memref_slice %arg6[%dma_start3A_108, %dma_start3A_110, %dma_start3A_111] : memref<6x128x128xf32, #tpu.memory_space<vmem>> -> memref<1x128x128xf32, #tpu.memory_space<vmem>>
    %dma_start3A_113 = tpu.memref_squeeze %dma_start3A_112 : memref<1x128x128xf32, #tpu.memory_space<vmem>> -> memref<128x128xf32, #tpu.memory_space<vmem>>
    %dma_start3A_114 = arith.constant 0 : i32
    %dma_start3A_115 = tpu.memref_slice %arg4[%dma_start3A_109, %mul3A_2, %dma_start3A_114] : memref<50x4096x128xf32, #tpu.memory_space<hbm>> -> memref<1x128x128xf32, #tpu.memory_space<hbm>>
    %dma_start3A_116 = tpu.memref_squeeze %dma_start3A_115 : memref<1x128x128xf32, #tpu.memory_space<hbm>> -> memref<128x128xf32, #tpu.memory_space<hbm>>
    %dma_start3A_117 = arith.constant 0 : i32
    %dma_start3A_118 = tpu.memref_slice %arg4[%dma_start3A_109, %mul3A_2, %dma_start3A_117] : memref<50x4096x128xf32, #tpu.memory_space<hbm>> -> memref<1x128x128xf32, #tpu.memory_space<hbm>>
    %dma_start3A_119 = tpu.memref_squeeze %dma_start3A_118 : memref<1x128x128xf32, #tpu.memory_space<hbm>> -> memref<128x128xf32, #tpu.memory_space<hbm>>
    %dma_start3A_120 = arith.constant 0 : i32
    %dma_start3A_121 = arith.constant 0 : i32
    %dma_start3A_122 = tpu.memref_slice %arg6[%dma_start3A_108, %dma_start3A_120, %dma_start3A_121] : memref<6x128x128xf32, #tpu.memory_space<vmem>> -> memref<1x128x128xf32, #tpu.memory_space<vmem>>
    %dma_start3A_123 = tpu.memref_squeeze %dma_start3A_122 : memref<1x128x128xf32, #tpu.memory_space<vmem>> -> memref<128x128xf32, #tpu.memory_space<vmem>>
    tpu.enqueue_dma source(%dma_start3A_123 : memref<128x128xf32, #tpu.memory_space<vmem>>) target(%dma_start3A_119 : memref<128x128xf32, #tpu.memory_space<hbm>>) target_semaphore(%arg14 : memref<!tpu.dma_semaphore, #tpu.memory_space<semaphore_mem>>)
    %dma_start3A_124 = arith.constant 5 : i32
    %dma_start3A_125 = arith.constant 0 : i32
    %dma_start3A_126 = arith.constant 5 : i32
    %dma_start3A_127 = arith.constant 0 : i32
    %dma_start3A_128 = arith.constant 0 : i32
    %dma_start3A_129 = tpu.memref_slice %arg6[%dma_start3A_126, %dma_start3A_127, %dma_start3A_128] : memref<6x128x128xf32, #tpu.memory_space<vmem>> -> memref<1x128x128xf32, #tpu.memory_space<vmem>>
    %dma_start3A_130 = tpu.memref_squeeze %dma_start3A_129 : memref<1x128x128xf32, #tpu.memory_space<vmem>> -> memref<128x128xf32, #tpu.memory_space<vmem>>
    %dma_start3A_131 = arith.constant 0 : i32
    %dma_start3A_132 = tpu.memref_slice %arg5[%dma_start3A_124, %dma_start3A_125, %dma_start3A_131] : memref<50x1x128xi32, #tpu.memory_space<vmem>> -> memref<1x1x128xi32, #tpu.memory_space<vmem>>
    %dma_start3A_133 = tpu.memref_squeeze %dma_start3A_132 : memref<1x1x128xi32, #tpu.memory_space<vmem>> -> memref<128xi32, #tpu.memory_space<vmem>>
    %dma_start3A_134 = arith.constant 0 : i32
    %dma_start3A_135 = arith.constant 0 : i32
    %dma_start3A_136 = tpu.memref_slice %arg3[%dma_start3A_134, %dma_start3A_135] : memref<100000x128xf32, #tpu.memory_space<hbm>> -> memref<100000x128xf32, #tpu.memory_space<hbm>>
    tpu.enqueue_indirect_dma source(%dma_start3A_136 : memref<100000x128xf32, #tpu.memory_space<hbm>>) target(%dma_start3A_130 : memref<128x128xf32, #tpu.memory_space<vmem>>) offsets(%dma_start3A_133 : memref<128xi32, #tpu.memory_space<vmem>>) semaphore(%arg12 : memref<!tpu.dma_semaphore, #tpu.memory_space<semaphore_mem>>)
    %dma_wait3A_137 = arith.constant 0 : i32
    %dma_wait3A_138 = arith.constant 0 : i32
    %dma_wait3A_139 = arith.constant 2 : i32
    %dma_wait3A_140 = arith.constant 0 : i32
    %dma_wait3A_141 = arith.constant 0 : i32
    %dma_wait3A_142 = tpu.memref_slice %arg6[%dma_wait3A_139, %dma_wait3A_140, %dma_wait3A_141] : memref<6x128x128xf32, #tpu.memory_space<vmem>> -> memref<1x128x128xf32, #tpu.memory_space<vmem>>
    %dma_wait3A_143 = tpu.memref_squeeze %dma_wait3A_142 : memref<1x128x128xf32, #tpu.memory_space<vmem>> -> memref<128x128xf32, #tpu.memory_space<vmem>>
    %dma_wait3A_144 = arith.constant 0 : i32
    %dma_wait3A_145 = tpu.memref_slice %arg5[%dma_wait3A_137, %dma_wait3A_138, %dma_wait3A_144] : memref<50x1x128xi32, #tpu.memory_space<vmem>> -> memref<1x1x128xi32, #tpu.memory_space<vmem>>
    %dma_wait3A_146 = tpu.memref_squeeze %dma_wait3A_145 : memref<1x1x128xi32, #tpu.memory_space<vmem>> -> memref<128xi32, #tpu.memory_space<vmem>>
    %dma_wait3A_147 = arith.constant 0 : i32
    %dma_wait3A_148 = arith.constant 0 : i32
    %dma_wait3A_149 = tpu.memref_slice %arg3[%dma_wait3A_147, %dma_wait3A_148] : memref<100000x128xf32, #tpu.memory_space<hbm>> -> memref<100000x128xf32, #tpu.memory_space<hbm>>
    tpu.wait_indirect_dma semaphore(%arg9 : memref<!tpu.dma_semaphore, #tpu.memory_space<semaphore_mem>>) src(%dma_wait3A_149 : memref<100000x128xf32, #tpu.memory_space<hbm>>) dst(%dma_wait3A_143 : memref<128x128xf32, #tpu.memory_space<vmem>>)
    %dma_start3A_150 = arith.constant 2 : i32
    %dma_start3A_151 = arith.constant 2 : i32
    %dma_start3A_152 = arith.constant 0 : i32
    %dma_start3A_153 = arith.constant 0 : i32
    %dma_start3A_154 = tpu.memref_slice %arg6[%dma_start3A_150, %dma_start3A_152, %dma_start3A_153] : memref<6x128x128xf32, #tpu.memory_space<vmem>> -> memref<1x128x128xf32, #tpu.memory_space<vmem>>
    %dma_start3A_155 = tpu.memref_squeeze %dma_start3A_154 : memref<1x128x128xf32, #tpu.memory_space<vmem>> -> memref<128x128xf32, #tpu.memory_space<vmem>>
    %dma_start3A_156 = arith.constant 0 : i32
    %dma_start3A_157 = tpu.memref_slice %arg4[%dma_start3A_151, %mul3A_2, %dma_start3A_156] : memref<50x4096x128xf32, #tpu.memory_space<hbm>> -> memref<1x128x128xf32, #tpu.memory_space<hbm>>
    %dma_start3A_158 = tpu.memref_squeeze %dma_start3A_157 : memref<1x128x128xf32, #tpu.memory_space<hbm>> -> memref<128x128xf32, #tpu.memory_space<hbm>>
    %dma_start3A_159 = arith.constant 0 : i32
    %dma_start3A_160 = tpu.memref_slice %arg4[%dma_start3A_151, %mul3A_2, %dma_start3A_159] : memref<50x4096x128xf32, #tpu.memory_space<hbm>> -> memref<1x128x128xf32, #tpu.memory_space<hbm>>
    %dma_start3A_161 = tpu.memref_squeeze %dma_start3A_160 : memref<1x128x128xf32, #tpu.memory_space<hbm>> -> memref<128x128xf32, #tpu.memory_space<hbm>>
    %dma_start3A_162 = arith.constant 0 : i32
    %dma_start3A_163 = arith.constant 0 : i32
    %dma_start3A_164 = tpu.memref_slice %arg6[%dma_start3A_150, %dma_start3A_162, %dma_start3A_163] : memref<6x128x128xf32, #tpu.memory_space<vmem>> -> memref<1x128x128xf32, #tpu.memory_space<vmem>>
    %dma_start3A_165 = tpu.memref_squeeze %dma_start3A_164 : memref<1x128x128xf32, #tpu.memory_space<vmem>> -> memref<128x128xf32, #tpu.memory_space<vmem>>
    tpu.enqueue_dma source(%dma_start3A_165 : memref<128x128xf32, #tpu.memory_space<vmem>>) target(%dma_start3A_161 : memref<128x128xf32, #tpu.memory_space<hbm>>) target_semaphore(%arg15 : memref<!tpu.dma_semaphore, #tpu.memory_space<semaphore_mem>>)
    %scan3A = arith.constant 0 : i32
    %scan3A_166 = arith.constant 0 : i32
    %scan3A_167 = arith.constant 7 : i32
    %scan3A_168 = arith.addi %scan3A_166, %scan3A_167 : i32
    %scan3A_169 = arith.constant 1 : i32
    scf.for %scan3A_470 = %scan3A_166 to %scan3A_168 step %scan3A_169  : i32 {
      %mul3A_471 = arith.constant 6 : i32
      %mul3A_472 = arith.muli %mul3A_471, %scan3A_470 : i32
      %add3A_473 = arith.constant 3 : i32
      %add3A_474 = arith.addi %add3A_473, %mul3A_472 : i32
      %dma_wait3A_475 = arith.constant 0 : i32
      %dma_wait3A_476 = arith.constant 0 : i32
      %dma_wait3A_477 = arith.constant 0 : i32
      %dma_wait3A_478 = arith.constant 0 : i32
      %dma_wait3A_479 = tpu.memref_slice %arg6[%dma_wait3A_475, %dma_wait3A_477, %dma_wait3A_478] : memref<6x128x128xf32, #tpu.memory_space<vmem>> -> memref<1x128x128xf32, #tpu.memory_space<vmem>>
      %dma_wait3A_480 = tpu.memref_squeeze %dma_wait3A_479 : memref<1x128x128xf32, #tpu.memory_space<vmem>> -> memref<128x128xf32, #tpu.memory_space<vmem>>
      %dma_wait3A_481 = arith.constant 0 : i32
      %dma_wait3A_482 = tpu.memref_slice %arg4[%dma_wait3A_476, %mul3A_2, %dma_wait3A_481] : memref<50x4096x128xf32, #tpu.memory_space<hbm>> -> memref<1x128x128xf32, #tpu.memory_space<hbm>>
      %dma_wait3A_483 = tpu.memref_squeeze %dma_wait3A_482 : memref<1x128x128xf32, #tpu.memory_space<hbm>> -> memref<128x128xf32, #tpu.memory_space<hbm>>
      %dma_wait3A_484 = arith.constant 0 : i32
      %dma_wait3A_485 = tpu.memref_slice %arg4[%dma_wait3A_476, %mul3A_2, %dma_wait3A_484] : memref<50x4096x128xf32, #tpu.memory_space<hbm>> -> memref<1x128x128xf32, #tpu.memory_space<hbm>>
      %dma_wait3A_486 = tpu.memref_squeeze %dma_wait3A_485 : memref<1x128x128xf32, #tpu.memory_space<hbm>> -> memref<128x128xf32, #tpu.memory_space<hbm>>
      %dma_wait3A_487 = arith.constant 0 : i32
      %dma_wait3A_488 = arith.constant 0 : i32
      %dma_wait3A_489 = tpu.memref_slice %arg6[%dma_wait3A_475, %dma_wait3A_487, %dma_wait3A_488] : memref<6x128x128xf32, #tpu.memory_space<vmem>> -> memref<1x128x128xf32, #tpu.memory_space<vmem>>
      %dma_wait3A_490 = tpu.memref_squeeze %dma_wait3A_489 : memref<1x128x128xf32, #tpu.memory_space<vmem>> -> memref<128x128xf32, #tpu.memory_space<vmem>>
      tpu.wait_dma2 semaphore(%arg13 : memref<!tpu.dma_semaphore, #tpu.memory_space<semaphore_mem>>) src(%dma_wait3A_490 : memref<128x128xf32, #tpu.memory_space<vmem>>) dst(%dma_wait3A_486 : memref<128x128xf32, #tpu.memory_space<hbm>>)
      %add3A_491 = arith.constant 0 : i32
      %add3A_492 = arith.addi %add3A_474, %add3A_491 : i32
      %add3A_493 = arith.constant 3 : i32
      %add3A_494 = arith.addi %add3A_492, %add3A_493 : i32
      %dma_start3A_495 = arith.constant 0 : i32
      %dma_start3A_496 = arith.constant 0 : i32
      %dma_start3A_497 = arith.constant 0 : i32
      %dma_start3A_498 = arith.constant 0 : i32
      %dma_start3A_499 = tpu.memref_slice %arg6[%dma_start3A_496, %dma_start3A_497, %dma_start3A_498] : memref<6x128x128xf32, #tpu.memory_space<vmem>> -> memref<1x128x128xf32, #tpu.memory_space<vmem>>
      %dma_start3A_500 = tpu.memref_squeeze %dma_start3A_499 : memref<1x128x128xf32, #tpu.memory_space<vmem>> -> memref<128x128xf32, #tpu.memory_space<vmem>>
      %dma_start3A_501 = arith.constant 0 : i32
      %dma_start3A_502 = tpu.memref_slice %arg5[%add3A_494, %dma_start3A_495, %dma_start3A_501] : memref<50x1x128xi32, #tpu.memory_space<vmem>> -> memref<1x1x128xi32, #tpu.memory_space<vmem>>
      %dma_start3A_503 = tpu.memref_squeeze %dma_start3A_502 : memref<1x1x128xi32, #tpu.memory_space<vmem>> -> memref<128xi32, #tpu.memory_space<vmem>>
      %dma_start3A_504 = arith.constant 0 : i32
      %dma_start3A_505 = arith.constant 0 : i32
      %dma_start3A_506 = tpu.memref_slice %arg3[%dma_start3A_504, %dma_start3A_505] : memref<100000x128xf32, #tpu.memory_space<hbm>> -> memref<100000x128xf32, #tpu.memory_space<hbm>>
      tpu.enqueue_indirect_dma source(%dma_start3A_506 : memref<100000x128xf32, #tpu.memory_space<hbm>>) target(%dma_start3A_500 : memref<128x128xf32, #tpu.memory_space<vmem>>) offsets(%dma_start3A_503 : memref<128xi32, #tpu.memory_space<vmem>>) semaphore(%arg7 : memref<!tpu.dma_semaphore, #tpu.memory_space<semaphore_mem>>)
      %dma_wait3A_507 = arith.constant 0 : i32
      %dma_wait3A_508 = arith.constant 0 : i32
      %dma_wait3A_509 = arith.constant 3 : i32
      %dma_wait3A_510 = arith.constant 0 : i32
      %dma_wait3A_511 = arith.constant 0 : i32
      %dma_wait3A_512 = tpu.memref_slice %arg6[%dma_wait3A_509, %dma_wait3A_510, %dma_wait3A_511] : memref<6x128x128xf32, #tpu.memory_space<vmem>> -> memref<1x128x128xf32, #tpu.memory_space<vmem>>
      %dma_wait3A_513 = tpu.memref_squeeze %dma_wait3A_512 : memref<1x128x128xf32, #tpu.memory_space<vmem>> -> memref<128x128xf32, #tpu.memory_space<vmem>>
      %dma_wait3A_514 = arith.constant 0 : i32
      %dma_wait3A_515 = tpu.memref_slice %arg5[%dma_wait3A_507, %dma_wait3A_508, %dma_wait3A_514] : memref<50x1x128xi32, #tpu.memory_space<vmem>> -> memref<1x1x128xi32, #tpu.memory_space<vmem>>
      %dma_wait3A_516 = tpu.memref_squeeze %dma_wait3A_515 : memref<1x1x128xi32, #tpu.memory_space<vmem>> -> memref<128xi32, #tpu.memory_space<vmem>>
      %dma_wait3A_517 = arith.constant 0 : i32
      %dma_wait3A_518 = arith.constant 0 : i32
      %dma_wait3A_519 = tpu.memref_slice %arg3[%dma_wait3A_517, %dma_wait3A_518] : memref<100000x128xf32, #tpu.memory_space<hbm>> -> memref<100000x128xf32, #tpu.memory_space<hbm>>
      tpu.wait_indirect_dma semaphore(%arg10 : memref<!tpu.dma_semaphore, #tpu.memory_space<semaphore_mem>>) src(%dma_wait3A_519 : memref<100000x128xf32, #tpu.memory_space<hbm>>) dst(%dma_wait3A_513 : memref<128x128xf32, #tpu.memory_space<vmem>>)
      %add3A_520 = arith.constant 0 : i32
      %add3A_521 = arith.addi %add3A_474, %add3A_520 : i32
      %dma_start3A_522 = arith.constant 3 : i32
      %dma_start3A_523 = arith.constant 0 : i32
      %dma_start3A_524 = arith.constant 0 : i32
      %dma_start3A_525 = tpu.memref_slice %arg6[%dma_start3A_522, %dma_start3A_523, %dma_start3A_524] : memref<6x128x128xf32, #tpu.memory_space<vmem>> -> memref<1x128x128xf32, #tpu.memory_space<vmem>>
      %dma_start3A_526 = tpu.memref_squeeze %dma_start3A_525 : memref<1x128x128xf32, #tpu.memory_space<vmem>> -> memref<128x128xf32, #tpu.memory_space<vmem>>
      %dma_start3A_527 = arith.constant 0 : i32
      %dma_start3A_528 = tpu.memref_slice %arg4[%add3A_521, %mul3A_2, %dma_start3A_527] : memref<50x4096x128xf32, #tpu.memory_space<hbm>> -> memref<1x128x128xf32, #tpu.memory_space<hbm>>
      %dma_start3A_529 = tpu.memref_squeeze %dma_start3A_528 : memref<1x128x128xf32, #tpu.memory_space<hbm>> -> memref<128x128xf32, #tpu.memory_space<hbm>>
      %dma_start3A_530 = arith.constant 0 : i32
      %dma_start3A_531 = tpu.memref_slice %arg4[%add3A_521, %mul3A_2, %dma_start3A_530] : memref<50x4096x128xf32, #tpu.memory_space<hbm>> -> memref<1x128x128xf32, #tpu.memory_space<hbm>>
      %dma_start3A_532 = tpu.memref_squeeze %dma_start3A_531 : memref<1x128x128xf32, #tpu.memory_space<hbm>> -> memref<128x128xf32, #tpu.memory_space<hbm>>
      %dma_start3A_533 = arith.constant 0 : i32
      %dma_start3A_534 = arith.constant 0 : i32
      %dma_start3A_535 = tpu.memref_slice %arg6[%dma_start3A_522, %dma_start3A_533, %dma_start3A_534] : memref<6x128x128xf32, #tpu.memory_space<vmem>> -> memref<1x128x128xf32, #tpu.memory_space<vmem>>
      %dma_start3A_536 = tpu.memref_squeeze %dma_start3A_535 : memref<1x128x128xf32, #tpu.memory_space<vmem>> -> memref<128x128xf32, #tpu.memory_space<vmem>>
      tpu.enqueue_dma source(%dma_start3A_536 : memref<128x128xf32, #tpu.memory_space<vmem>>) target(%dma_start3A_532 : memref<128x128xf32, #tpu.memory_space<hbm>>) target_semaphore(%arg16 : memref<!tpu.dma_semaphore, #tpu.memory_space<semaphore_mem>>)
      %dma_wait3A_537 = arith.constant 1 : i32
      %dma_wait3A_538 = arith.constant 0 : i32
      %dma_wait3A_539 = arith.constant 0 : i32
      %dma_wait3A_540 = arith.constant 0 : i32
      %dma_wait3A_541 = tpu.memref_slice %arg6[%dma_wait3A_537, %dma_wait3A_539, %dma_wait3A_540] : memref<6x128x128xf32, #tpu.memory_space<vmem>> -> memref<1x128x128xf32, #tpu.memory_space<vmem>>
      %dma_wait3A_542 = tpu.memref_squeeze %dma_wait3A_541 : memref<1x128x128xf32, #tpu.memory_space<vmem>> -> memref<128x128xf32, #tpu.memory_space<vmem>>
      %dma_wait3A_543 = arith.constant 0 : i32
      %dma_wait3A_544 = tpu.memref_slice %arg4[%dma_wait3A_538, %mul3A_2, %dma_wait3A_543] : memref<50x4096x128xf32, #tpu.memory_space<hbm>> -> memref<1x128x128xf32, #tpu.memory_space<hbm>>
      %dma_wait3A_545 = tpu.memref_squeeze %dma_wait3A_544 : memref<1x128x128xf32, #tpu.memory_space<hbm>> -> memref<128x128xf32, #tpu.memory_space<hbm>>
      %dma_wait3A_546 = arith.constant 0 : i32
      %dma_wait3A_547 = tpu.memref_slice %arg4[%dma_wait3A_538, %mul3A_2, %dma_wait3A_546] : memref<50x4096x128xf32, #tpu.memory_space<hbm>> -> memref<1x128x128xf32, #tpu.memory_space<hbm>>
      %dma_wait3A_548 = tpu.memref_squeeze %dma_wait3A_547 : memref<1x128x128xf32, #tpu.memory_space<hbm>> -> memref<128x128xf32, #tpu.memory_space<hbm>>
      %dma_wait3A_549 = arith.constant 0 : i32
      %dma_wait3A_550 = arith.constant 0 : i32
      %dma_wait3A_551 = tpu.memref_slice %arg6[%dma_wait3A_537, %dma_wait3A_549, %dma_wait3A_550] : memref<6x128x128xf32, #tpu.memory_space<vmem>> -> memref<1x128x128xf32, #tpu.memory_space<vmem>>
      %dma_wait3A_552 = tpu.memref_squeeze %dma_wait3A_551 : memref<1x128x128xf32, #tpu.memory_space<vmem>> -> memref<128x128xf32, #tpu.memory_space<vmem>>
      tpu.wait_dma2 semaphore(%arg14 : memref<!tpu.dma_semaphore, #tpu.memory_space<semaphore_mem>>) src(%dma_wait3A_552 : memref<128x128xf32, #tpu.memory_space<vmem>>) dst(%dma_wait3A_548 : memref<128x128xf32, #tpu.memory_space<hbm>>)
      %add3A_553 = arith.constant 1 : i32
      %add3A_554 = arith.addi %add3A_474, %add3A_553 : i32
      %add3A_555 = arith.constant 3 : i32
      %add3A_556 = arith.addi %add3A_554, %add3A_555 : i32
      %dma_start3A_557 = arith.constant 0 : i32
      %dma_start3A_558 = arith.constant 1 : i32
      %dma_start3A_559 = arith.constant 0 : i32
      %dma_start3A_560 = arith.constant 0 : i32
      %dma_start3A_561 = tpu.memref_slice %arg6[%dma_start3A_558, %dma_start3A_559, %dma_start3A_560] : memref<6x128x128xf32, #tpu.memory_space<vmem>> -> memref<1x128x128xf32, #tpu.memory_space<vmem>>
      %dma_start3A_562 = tpu.memref_squeeze %dma_start3A_561 : memref<1x128x128xf32, #tpu.memory_space<vmem>> -> memref<128x128xf32, #tpu.memory_space<vmem>>
      %dma_start3A_563 = arith.constant 0 : i32
      %dma_start3A_564 = tpu.memref_slice %arg5[%add3A_556, %dma_start3A_557, %dma_start3A_563] : memref<50x1x128xi32, #tpu.memory_space<vmem>> -> memref<1x1x128xi32, #tpu.memory_space<vmem>>
      %dma_start3A_565 = tpu.memref_squeeze %dma_start3A_564 : memref<1x1x128xi32, #tpu.memory_space<vmem>> -> memref<128xi32, #tpu.memory_space<vmem>>
      %dma_start3A_566 = arith.constant 0 : i32
      %dma_start3A_567 = arith.constant 0 : i32
      %dma_start3A_568 = tpu.memref_slice %arg3[%dma_start3A_566, %dma_start3A_567] : memref<100000x128xf32, #tpu.memory_space<hbm>> -> memref<100000x128xf32, #tpu.memory_space<hbm>>
      tpu.enqueue_indirect_dma source(%dma_start3A_568 : memref<100000x128xf32, #tpu.memory_space<hbm>>) target(%dma_start3A_562 : memref<128x128xf32, #tpu.memory_space<vmem>>) offsets(%dma_start3A_565 : memref<128xi32, #tpu.memory_space<vmem>>) semaphore(%arg8 : memref<!tpu.dma_semaphore, #tpu.memory_space<semaphore_mem>>)
      %dma_wait3A_569 = arith.constant 0 : i32
      %dma_wait3A_570 = arith.constant 0 : i32
      %dma_wait3A_571 = arith.constant 4 : i32
      %dma_wait3A_572 = arith.constant 0 : i32
      %dma_wait3A_573 = arith.constant 0 : i32
      %dma_wait3A_574 = tpu.memref_slice %arg6[%dma_wait3A_571, %dma_wait3A_572, %dma_wait3A_573] : memref<6x128x128xf32, #tpu.memory_space<vmem>> -> memref<1x128x128xf32, #tpu.memory_space<vmem>>
      %dma_wait3A_575 = tpu.memref_squeeze %dma_wait3A_574 : memref<1x128x128xf32, #tpu.memory_space<vmem>> -> memref<128x128xf32, #tpu.memory_space<vmem>>
      %dma_wait3A_576 = arith.constant 0 : i32
      %dma_wait3A_577 = tpu.memref_slice %arg5[%dma_wait3A_569, %dma_wait3A_570, %dma_wait3A_576] : memref<50x1x128xi32, #tpu.memory_space<vmem>> -> memref<1x1x128xi32, #tpu.memory_space<vmem>>
      %dma_wait3A_578 = tpu.memref_squeeze %dma_wait3A_577 : memref<1x1x128xi32, #tpu.memory_space<vmem>> -> memref<128xi32, #tpu.memory_space<vmem>>
      %dma_wait3A_579 = arith.constant 0 : i32
      %dma_wait3A_580 = arith.constant 0 : i32
      %dma_wait3A_581 = tpu.memref_slice %arg3[%dma_wait3A_579, %dma_wait3A_580] : memref<100000x128xf32, #tpu.memory_space<hbm>> -> memref<100000x128xf32, #tpu.memory_space<hbm>>
      tpu.wait_indirect_dma semaphore(%arg11 : memref<!tpu.dma_semaphore, #tpu.memory_space<semaphore_mem>>) src(%dma_wait3A_581 : memref<100000x128xf32, #tpu.memory_space<hbm>>) dst(%dma_wait3A_575 : memref<128x128xf32, #tpu.memory_space<vmem>>)
      %add3A_582 = arith.constant 1 : i32
      %add3A_583 = arith.addi %add3A_474, %add3A_582 : i32
      %dma_start3A_584 = arith.constant 4 : i32
      %dma_start3A_585 = arith.constant 0 : i32
      %dma_start3A_586 = arith.constant 0 : i32
      %dma_start3A_587 = tpu.memref_slice %arg6[%dma_start3A_584, %dma_start3A_585, %dma_start3A_586] : memref<6x128x128xf32, #tpu.memory_space<vmem>> -> memref<1x128x128xf32, #tpu.memory_space<vmem>>
      %dma_start3A_588 = tpu.memref_squeeze %dma_start3A_587 : memref<1x128x128xf32, #tpu.memory_space<vmem>> -> memref<128x128xf32, #tpu.memory_space<vmem>>
      %dma_start3A_589 = arith.constant 0 : i32
      %dma_start3A_590 = tpu.memref_slice %arg4[%add3A_583, %mul3A_2, %dma_start3A_589] : memref<50x4096x128xf32, #tpu.memory_space<hbm>> -> memref<1x128x128xf32, #tpu.memory_space<hbm>>
      %dma_start3A_591 = tpu.memref_squeeze %dma_start3A_590 : memref<1x128x128xf32, #tpu.memory_space<hbm>> -> memref<128x128xf32, #tpu.memory_space<hbm>>
      %dma_start3A_592 = arith.constant 0 : i32
      %dma_start3A_593 = tpu.memref_slice %arg4[%add3A_583, %mul3A_2, %dma_start3A_592] : memref<50x4096x128xf32, #tpu.memory_space<hbm>> -> memref<1x128x128xf32, #tpu.memory_space<hbm>>
      %dma_start3A_594 = tpu.memref_squeeze %dma_start3A_593 : memref<1x128x128xf32, #tpu.memory_space<hbm>> -> memref<128x128xf32, #tpu.memory_space<hbm>>
      %dma_start3A_595 = arith.constant 0 : i32
      %dma_start3A_596 = arith.constant 0 : i32
      %dma_start3A_597 = tpu.memref_slice %arg6[%dma_start3A_584, %dma_start3A_595, %dma_start3A_596] : memref<6x128x128xf32, #tpu.memory_space<vmem>> -> memref<1x128x128xf32, #tpu.memory_space<vmem>>
      %dma_start3A_598 = tpu.memref_squeeze %dma_start3A_597 : memref<1x128x128xf32, #tpu.memory_space<vmem>> -> memref<128x128xf32, #tpu.memory_space<vmem>>
      tpu.enqueue_dma source(%dma_start3A_598 : memref<128x128xf32, #tpu.memory_space<vmem>>) target(%dma_start3A_594 : memref<128x128xf32, #tpu.memory_space<hbm>>) target_semaphore(%arg17 : memref<!tpu.dma_semaphore, #tpu.memory_space<semaphore_mem>>)
      %dma_wait3A_599 = arith.constant 2 : i32
      %dma_wait3A_600 = arith.constant 0 : i32
      %dma_wait3A_601 = arith.constant 0 : i32
      %dma_wait3A_602 = arith.constant 0 : i32
      %dma_wait3A_603 = tpu.memref_slice %arg6[%dma_wait3A_599, %dma_wait3A_601, %dma_wait3A_602] : memref<6x128x128xf32, #tpu.memory_space<vmem>> -> memref<1x128x128xf32, #tpu.memory_space<vmem>>
      %dma_wait3A_604 = tpu.memref_squeeze %dma_wait3A_603 : memref<1x128x128xf32, #tpu.memory_space<vmem>> -> memref<128x128xf32, #tpu.memory_space<vmem>>
      %dma_wait3A_605 = arith.constant 0 : i32
      %dma_wait3A_606 = tpu.memref_slice %arg4[%dma_wait3A_600, %mul3A_2, %dma_wait3A_605] : memref<50x4096x128xf32, #tpu.memory_space<hbm>> -> memref<1x128x128xf32, #tpu.memory_space<hbm>>
      %dma_wait3A_607 = tpu.memref_squeeze %dma_wait3A_606 : memref<1x128x128xf32, #tpu.memory_space<hbm>> -> memref<128x128xf32, #tpu.memory_space<hbm>>
      %dma_wait3A_608 = arith.constant 0 : i32
      %dma_wait3A_609 = tpu.memref_slice %arg4[%dma_wait3A_600, %mul3A_2, %dma_wait3A_608] : memref<50x4096x128xf32, #tpu.memory_space<hbm>> -> memref<1x128x128xf32, #tpu.memory_space<hbm>>
      %dma_wait3A_610 = tpu.memref_squeeze %dma_wait3A_609 : memref<1x128x128xf32, #tpu.memory_space<hbm>> -> memref<128x128xf32, #tpu.memory_space<hbm>>
      %dma_wait3A_611 = arith.constant 0 : i32
      %dma_wait3A_612 = arith.constant 0 : i32
      %dma_wait3A_613 = tpu.memref_slice %arg6[%dma_wait3A_599, %dma_wait3A_611, %dma_wait3A_612] : memref<6x128x128xf32, #tpu.memory_space<vmem>> -> memref<1x128x128xf32, #tpu.memory_space<vmem>>
      %dma_wait3A_614 = tpu.memref_squeeze %dma_wait3A_613 : memref<1x128x128xf32, #tpu.memory_space<vmem>> -> memref<128x128xf32, #tpu.memory_space<vmem>>
      tpu.wait_dma2 semaphore(%arg15 : memref<!tpu.dma_semaphore, #tpu.memory_space<semaphore_mem>>) src(%dma_wait3A_614 : memref<128x128xf32, #tpu.memory_space<vmem>>) dst(%dma_wait3A_610 : memref<128x128xf32, #tpu.memory_space<hbm>>)
      %add3A_615 = arith.constant 2 : i32
      %add3A_616 = arith.addi %add3A_474, %add3A_615 : i32
      %add3A_617 = arith.constant 3 : i32
      %add3A_618 = arith.addi %add3A_616, %add3A_617 : i32
      %dma_start3A_619 = arith.constant 0 : i32
      %dma_start3A_620 = arith.constant 2 : i32
      %dma_start3A_621 = arith.constant 0 : i32
      %dma_start3A_622 = arith.constant 0 : i32
      %dma_start3A_623 = tpu.memref_slice %arg6[%dma_start3A_620, %dma_start3A_621, %dma_start3A_622] : memref<6x128x128xf32, #tpu.memory_space<vmem>> -> memref<1x128x128xf32, #tpu.memory_space<vmem>>
      %dma_start3A_624 = tpu.memref_squeeze %dma_start3A_623 : memref<1x128x128xf32, #tpu.memory_space<vmem>> -> memref<128x128xf32, #tpu.memory_space<vmem>>
      %dma_start3A_625 = arith.constant 0 : i32
      %dma_start3A_626 = tpu.memref_slice %arg5[%add3A_618, %dma_start3A_619, %dma_start3A_625] : memref<50x1x128xi32, #tpu.memory_space<vmem>> -> memref<1x1x128xi32, #tpu.memory_space<vmem>>
      %dma_start3A_627 = tpu.memref_squeeze %dma_start3A_626 : memref<1x1x128xi32, #tpu.memory_space<vmem>> -> memref<128xi32, #tpu.memory_space<vmem>>
      %dma_start3A_628 = arith.constant 0 : i32
      %dma_start3A_629 = arith.constant 0 : i32
      %dma_start3A_630 = tpu.memref_slice %arg3[%dma_start3A_628, %dma_start3A_629] : memref<100000x128xf32, #tpu.memory_space<hbm>> -> memref<100000x128xf32, #tpu.memory_space<hbm>>
      tpu.enqueue_indirect_dma source(%dma_start3A_630 : memref<100000x128xf32, #tpu.memory_space<hbm>>) target(%dma_start3A_624 : memref<128x128xf32, #tpu.memory_space<vmem>>) offsets(%dma_start3A_627 : memref<128xi32, #tpu.memory_space<vmem>>) semaphore(%arg9 : memref<!tpu.dma_semaphore, #tpu.memory_space<semaphore_mem>>)
      %dma_wait3A_631 = arith.constant 0 : i32
      %dma_wait3A_632 = arith.constant 0 : i32
      %dma_wait3A_633 = arith.constant 5 : i32
      %dma_wait3A_634 = arith.constant 0 : i32
      %dma_wait3A_635 = arith.constant 0 : i32
      %dma_wait3A_636 = tpu.memref_slice %arg6[%dma_wait3A_633, %dma_wait3A_634, %dma_wait3A_635] : memref<6x128x128xf32, #tpu.memory_space<vmem>> -> memref<1x128x128xf32, #tpu.memory_space<vmem>>
      %dma_wait3A_637 = tpu.memref_squeeze %dma_wait3A_636 : memref<1x128x128xf32, #tpu.memory_space<vmem>> -> memref<128x128xf32, #tpu.memory_space<vmem>>
      %dma_wait3A_638 = arith.constant 0 : i32
      %dma_wait3A_639 = tpu.memref_slice %arg5[%dma_wait3A_631, %dma_wait3A_632, %dma_wait3A_638] : memref<50x1x128xi32, #tpu.memory_space<vmem>> -> memref<1x1x128xi32, #tpu.memory_space<vmem>>
      %dma_wait3A_640 = tpu.memref_squeeze %dma_wait3A_639 : memref<1x1x128xi32, #tpu.memory_space<vmem>> -> memref<128xi32, #tpu.memory_space<vmem>>
      %dma_wait3A_641 = arith.constant 0 : i32
      %dma_wait3A_642 = arith.constant 0 : i32
      %dma_wait3A_643 = tpu.memref_slice %arg3[%dma_wait3A_641, %dma_wait3A_642] : memref<100000x128xf32, #tpu.memory_space<hbm>> -> memref<100000x128xf32, #tpu.memory_space<hbm>>
      tpu.wait_indirect_dma semaphore(%arg12 : memref<!tpu.dma_semaphore, #tpu.memory_space<semaphore_mem>>) src(%dma_wait3A_643 : memref<100000x128xf32, #tpu.memory_space<hbm>>) dst(%dma_wait3A_637 : memref<128x128xf32, #tpu.memory_space<vmem>>)
      %add3A_644 = arith.constant 2 : i32
      %add3A_645 = arith.addi %add3A_474, %add3A_644 : i32
      %dma_start3A_646 = arith.constant 5 : i32
      %dma_start3A_647 = arith.constant 0 : i32
      %dma_start3A_648 = arith.constant 0 : i32
      %dma_start3A_649 = tpu.memref_slice %arg6[%dma_start3A_646, %dma_start3A_647, %dma_start3A_648] : memref<6x128x128xf32, #tpu.memory_space<vmem>> -> memref<1x128x128xf32, #tpu.memory_space<vmem>>
      %dma_start3A_650 = tpu.memref_squeeze %dma_start3A_649 : memref<1x128x128xf32, #tpu.memory_space<vmem>> -> memref<128x128xf32, #tpu.memory_space<vmem>>
      %dma_start3A_651 = arith.constant 0 : i32
      %dma_start3A_652 = tpu.memref_slice %arg4[%add3A_645, %mul3A_2, %dma_start3A_651] : memref<50x4096x128xf32, #tpu.memory_space<hbm>> -> memref<1x128x128xf32, #tpu.memory_space<hbm>>
      %dma_start3A_653 = tpu.memref_squeeze %dma_start3A_652 : memref<1x128x128xf32, #tpu.memory_space<hbm>> -> memref<128x128xf32, #tpu.memory_space<hbm>>
      %dma_start3A_654 = arith.constant 0 : i32
      %dma_start3A_655 = tpu.memref_slice %arg4[%add3A_645, %mul3A_2, %dma_start3A_654] : memref<50x4096x128xf32, #tpu.memory_space<hbm>> -> memref<1x128x128xf32, #tpu.memory_space<hbm>>
      %dma_start3A_656 = tpu.memref_squeeze %dma_start3A_655 : memref<1x128x128xf32, #tpu.memory_space<hbm>> -> memref<128x128xf32, #tpu.memory_space<hbm>>
      %dma_start3A_657 = arith.constant 0 : i32
      %dma_start3A_658 = arith.constant 0 : i32
      %dma_start3A_659 = tpu.memref_slice %arg6[%dma_start3A_646, %dma_start3A_657, %dma_start3A_658] : memref<6x128x128xf32, #tpu.memory_space<vmem>> -> memref<1x128x128xf32, #tpu.memory_space<vmem>>
      %dma_start3A_660 = tpu.memref_squeeze %dma_start3A_659 : memref<1x128x128xf32, #tpu.memory_space<vmem>> -> memref<128x128xf32, #tpu.memory_space<vmem>>
      tpu.enqueue_dma source(%dma_start3A_660 : memref<128x128xf32, #tpu.memory_space<vmem>>) target(%dma_start3A_656 : memref<128x128xf32, #tpu.memory_space<hbm>>) target_semaphore(%arg18 : memref<!tpu.dma_semaphore, #tpu.memory_space<semaphore_mem>>)
      %dma_wait3A_661 = arith.constant 3 : i32
      %dma_wait3A_662 = arith.constant 0 : i32
      %dma_wait3A_663 = arith.constant 0 : i32
      %dma_wait3A_664 = arith.constant 0 : i32
      %dma_wait3A_665 = tpu.memref_slice %arg6[%dma_wait3A_661, %dma_wait3A_663, %dma_wait3A_664] : memref<6x128x128xf32, #tpu.memory_space<vmem>> -> memref<1x128x128xf32, #tpu.memory_space<vmem>>
      %dma_wait3A_666 = tpu.memref_squeeze %dma_wait3A_665 : memref<1x128x128xf32, #tpu.memory_space<vmem>> -> memref<128x128xf32, #tpu.memory_space<vmem>>
      %dma_wait3A_667 = arith.constant 0 : i32
      %dma_wait3A_668 = tpu.memref_slice %arg4[%dma_wait3A_662, %mul3A_2, %dma_wait3A_667] : memref<50x4096x128xf32, #tpu.memory_space<hbm>> -> memref<1x128x128xf32, #tpu.memory_space<hbm>>
      %dma_wait3A_669 = tpu.memref_squeeze %dma_wait3A_668 : memref<1x128x128xf32, #tpu.memory_space<hbm>> -> memref<128x128xf32, #tpu.memory_space<hbm>>
      %dma_wait3A_670 = arith.constant 0 : i32
      %dma_wait3A_671 = tpu.memref_slice %arg4[%dma_wait3A_662, %mul3A_2, %dma_wait3A_670] : memref<50x4096x128xf32, #tpu.memory_space<hbm>> -> memref<1x128x128xf32, #tpu.memory_space<hbm>>
      %dma_wait3A_672 = tpu.memref_squeeze %dma_wait3A_671 : memref<1x128x128xf32, #tpu.memory_space<hbm>> -> memref<128x128xf32, #tpu.memory_space<hbm>>
      %dma_wait3A_673 = arith.constant 0 : i32
      %dma_wait3A_674 = arith.constant 0 : i32
      %dma_wait3A_675 = tpu.memref_slice %arg6[%dma_wait3A_661, %dma_wait3A_673, %dma_wait3A_674] : memref<6x128x128xf32, #tpu.memory_space<vmem>> -> memref<1x128x128xf32, #tpu.memory_space<vmem>>
      %dma_wait3A_676 = tpu.memref_squeeze %dma_wait3A_675 : memref<1x128x128xf32, #tpu.memory_space<vmem>> -> memref<128x128xf32, #tpu.memory_space<vmem>>
      tpu.wait_dma2 semaphore(%arg16 : memref<!tpu.dma_semaphore, #tpu.memory_space<semaphore_mem>>) src(%dma_wait3A_676 : memref<128x128xf32, #tpu.memory_space<vmem>>) dst(%dma_wait3A_672 : memref<128x128xf32, #tpu.memory_space<hbm>>)
      %add3A_677 = arith.constant 3 : i32
      %add3A_678 = arith.addi %add3A_474, %add3A_677 : i32
      %add3A_679 = arith.constant 3 : i32
      %add3A_680 = arith.addi %add3A_678, %add3A_679 : i32
      %dma_start3A_681 = arith.constant 0 : i32
      %dma_start3A_682 = arith.constant 3 : i32
      %dma_start3A_683 = arith.constant 0 : i32
      %dma_start3A_684 = arith.constant 0 : i32
      %dma_start3A_685 = tpu.memref_slice %arg6[%dma_start3A_682, %dma_start3A_683, %dma_start3A_684] : memref<6x128x128xf32, #tpu.memory_space<vmem>> -> memref<1x128x128xf32, #tpu.memory_space<vmem>>
      %dma_start3A_686 = tpu.memref_squeeze %dma_start3A_685 : memref<1x128x128xf32, #tpu.memory_space<vmem>> -> memref<128x128xf32, #tpu.memory_space<vmem>>
      %dma_start3A_687 = arith.constant 0 : i32
      %dma_start3A_688 = tpu.memref_slice %arg5[%add3A_680, %dma_start3A_681, %dma_start3A_687] : memref<50x1x128xi32, #tpu.memory_space<vmem>> -> memref<1x1x128xi32, #tpu.memory_space<vmem>>
      %dma_start3A_689 = tpu.memref_squeeze %dma_start3A_688 : memref<1x1x128xi32, #tpu.memory_space<vmem>> -> memref<128xi32, #tpu.memory_space<vmem>>
      %dma_start3A_690 = arith.constant 0 : i32
      %dma_start3A_691 = arith.constant 0 : i32
      %dma_start3A_692 = tpu.memref_slice %arg3[%dma_start3A_690, %dma_start3A_691] : memref<100000x128xf32, #tpu.memory_space<hbm>> -> memref<100000x128xf32, #tpu.memory_space<hbm>>
      tpu.enqueue_indirect_dma source(%dma_start3A_692 : memref<100000x128xf32, #tpu.memory_space<hbm>>) target(%dma_start3A_686 : memref<128x128xf32, #tpu.memory_space<vmem>>) offsets(%dma_start3A_689 : memref<128xi32, #tpu.memory_space<vmem>>) semaphore(%arg10 : memref<!tpu.dma_semaphore, #tpu.memory_space<semaphore_mem>>)
      %dma_wait3A_693 = arith.constant 0 : i32
      %dma_wait3A_694 = arith.constant 0 : i32
      %dma_wait3A_695 = arith.constant 0 : i32
      %dma_wait3A_696 = arith.constant 0 : i32
      %dma_wait3A_697 = arith.constant 0 : i32
      %dma_wait3A_698 = tpu.memref_slice %arg6[%dma_wait3A_695, %dma_wait3A_696, %dma_wait3A_697] : memref<6x128x128xf32, #tpu.memory_space<vmem>> -> memref<1x128x128xf32, #tpu.memory_space<vmem>>
      %dma_wait3A_699 = tpu.memref_squeeze %dma_wait3A_698 : memref<1x128x128xf32, #tpu.memory_space<vmem>> -> memref<128x128xf32, #tpu.memory_space<vmem>>
      %dma_wait3A_700 = arith.constant 0 : i32
      %dma_wait3A_701 = tpu.memref_slice %arg5[%dma_wait3A_693, %dma_wait3A_694, %dma_wait3A_700] : memref<50x1x128xi32, #tpu.memory_space<vmem>> -> memref<1x1x128xi32, #tpu.memory_space<vmem>>
      %dma_wait3A_702 = tpu.memref_squeeze %dma_wait3A_701 : memref<1x1x128xi32, #tpu.memory_space<vmem>> -> memref<128xi32, #tpu.memory_space<vmem>>
      %dma_wait3A_703 = arith.constant 0 : i32
      %dma_wait3A_704 = arith.constant 0 : i32
      %dma_wait3A_705 = tpu.memref_slice %arg3[%dma_wait3A_703, %dma_wait3A_704] : memref<100000x128xf32, #tpu.memory_space<hbm>> -> memref<100000x128xf32, #tpu.memory_space<hbm>>
      tpu.wait_indirect_dma semaphore(%arg7 : memref<!tpu.dma_semaphore, #tpu.memory_space<semaphore_mem>>) src(%dma_wait3A_705 : memref<100000x128xf32, #tpu.memory_space<hbm>>) dst(%dma_wait3A_699 : memref<128x128xf32, #tpu.memory_space<vmem>>)
      %add3A_706 = arith.constant 3 : i32
      %add3A_707 = arith.addi %add3A_474, %add3A_706 : i32
      %dma_start3A_708 = arith.constant 0 : i32
      %dma_start3A_709 = arith.constant 0 : i32
      %dma_start3A_710 = arith.constant 0 : i32
      %dma_start3A_711 = tpu.memref_slice %arg6[%dma_start3A_708, %dma_start3A_709, %dma_start3A_710] : memref<6x128x128xf32, #tpu.memory_space<vmem>> -> memref<1x128x128xf32, #tpu.memory_space<vmem>>
      %dma_start3A_712 = tpu.memref_squeeze %dma_start3A_711 : memref<1x128x128xf32, #tpu.memory_space<vmem>> -> memref<128x128xf32, #tpu.memory_space<vmem>>
      %dma_start3A_713 = arith.constant 0 : i32
      %dma_start3A_714 = tpu.memref_slice %arg4[%add3A_707, %mul3A_2, %dma_start3A_713] : memref<50x4096x128xf32, #tpu.memory_space<hbm>> -> memref<1x128x128xf32, #tpu.memory_space<hbm>>
      %dma_start3A_715 = tpu.memref_squeeze %dma_start3A_714 : memref<1x128x128xf32, #tpu.memory_space<hbm>> -> memref<128x128xf32, #tpu.memory_space<hbm>>
      %dma_start3A_716 = arith.constant 0 : i32
      %dma_start3A_717 = tpu.memref_slice %arg4[%add3A_707, %mul3A_2, %dma_start3A_716] : memref<50x4096x128xf32, #tpu.memory_space<hbm>> -> memref<1x128x128xf32, #tpu.memory_space<hbm>>
      %dma_start3A_718 = tpu.memref_squeeze %dma_start3A_717 : memref<1x128x128xf32, #tpu.memory_space<hbm>> -> memref<128x128xf32, #tpu.memory_space<hbm>>
      %dma_start3A_719 = arith.constant 0 : i32
      %dma_start3A_720 = arith.constant 0 : i32
      %dma_start3A_721 = tpu.memref_slice %arg6[%dma_start3A_708, %dma_start3A_719, %dma_start3A_720] : memref<6x128x128xf32, #tpu.memory_space<vmem>> -> memref<1x128x128xf32, #tpu.memory_space<vmem>>
      %dma_start3A_722 = tpu.memref_squeeze %dma_start3A_721 : memref<1x128x128xf32, #tpu.memory_space<vmem>> -> memref<128x128xf32, #tpu.memory_space<vmem>>
      tpu.enqueue_dma source(%dma_start3A_722 : memref<128x128xf32, #tpu.memory_space<vmem>>) target(%dma_start3A_718 : memref<128x128xf32, #tpu.memory_space<hbm>>) target_semaphore(%arg13 : memref<!tpu.dma_semaphore, #tpu.memory_space<semaphore_mem>>)
      %dma_wait3A_723 = arith.constant 4 : i32
      %dma_wait3A_724 = arith.constant 0 : i32
      %dma_wait3A_725 = arith.constant 0 : i32
      %dma_wait3A_726 = arith.constant 0 : i32
      %dma_wait3A_727 = tpu.memref_slice %arg6[%dma_wait3A_723, %dma_wait3A_725, %dma_wait3A_726] : memref<6x128x128xf32, #tpu.memory_space<vmem>> -> memref<1x128x128xf32, #tpu.memory_space<vmem>>
      %dma_wait3A_728 = tpu.memref_squeeze %dma_wait3A_727 : memref<1x128x128xf32, #tpu.memory_space<vmem>> -> memref<128x128xf32, #tpu.memory_space<vmem>>
      %dma_wait3A_729 = arith.constant 0 : i32
      %dma_wait3A_730 = tpu.memref_slice %arg4[%dma_wait3A_724, %mul3A_2, %dma_wait3A_729] : memref<50x4096x128xf32, #tpu.memory_space<hbm>> -> memref<1x128x128xf32, #tpu.memory_space<hbm>>
      %dma_wait3A_731 = tpu.memref_squeeze %dma_wait3A_730 : memref<1x128x128xf32, #tpu.memory_space<hbm>> -> memref<128x128xf32, #tpu.memory_space<hbm>>
      %dma_wait3A_732 = arith.constant 0 : i32
      %dma_wait3A_733 = tpu.memref_slice %arg4[%dma_wait3A_724, %mul3A_2, %dma_wait3A_732] : memref<50x4096x128xf32, #tpu.memory_space<hbm>> -> memref<1x128x128xf32, #tpu.memory_space<hbm>>
      %dma_wait3A_734 = tpu.memref_squeeze %dma_wait3A_733 : memref<1x128x128xf32, #tpu.memory_space<hbm>> -> memref<128x128xf32, #tpu.memory_space<hbm>>
      %dma_wait3A_735 = arith.constant 0 : i32
      %dma_wait3A_736 = arith.constant 0 : i32
      %dma_wait3A_737 = tpu.memref_slice %arg6[%dma_wait3A_723, %dma_wait3A_735, %dma_wait3A_736] : memref<6x128x128xf32, #tpu.memory_space<vmem>> -> memref<1x128x128xf32, #tpu.memory_space<vmem>>
      %dma_wait3A_738 = tpu.memref_squeeze %dma_wait3A_737 : memref<1x128x128xf32, #tpu.memory_space<vmem>> -> memref<128x128xf32, #tpu.memory_space<vmem>>
      tpu.wait_dma2 semaphore(%arg17 : memref<!tpu.dma_semaphore, #tpu.memory_space<semaphore_mem>>) src(%dma_wait3A_738 : memref<128x128xf32, #tpu.memory_space<vmem>>) dst(%dma_wait3A_734 : memref<128x128xf32, #tpu.memory_space<hbm>>)
      %add3A_739 = arith.constant 4 : i32
      %add3A_740 = arith.addi %add3A_474, %add3A_739 : i32
      %add3A_741 = arith.constant 3 : i32
      %add3A_742 = arith.addi %add3A_740, %add3A_741 : i32
      %dma_start3A_743 = arith.constant 0 : i32
      %dma_start3A_744 = arith.constant 4 : i32
      %dma_start3A_745 = arith.constant 0 : i32
      %dma_start3A_746 = arith.constant 0 : i32
      %dma_start3A_747 = tpu.memref_slice %arg6[%dma_start3A_744, %dma_start3A_745, %dma_start3A_746] : memref<6x128x128xf32, #tpu.memory_space<vmem>> -> memref<1x128x128xf32, #tpu.memory_space<vmem>>
      %dma_start3A_748 = tpu.memref_squeeze %dma_start3A_747 : memref<1x128x128xf32, #tpu.memory_space<vmem>> -> memref<128x128xf32, #tpu.memory_space<vmem>>
      %dma_start3A_749 = arith.constant 0 : i32
      %dma_start3A_750 = tpu.memref_slice %arg5[%add3A_742, %dma_start3A_743, %dma_start3A_749] : memref<50x1x128xi32, #tpu.memory_space<vmem>> -> memref<1x1x128xi32, #tpu.memory_space<vmem>>
      %dma_start3A_751 = tpu.memref_squeeze %dma_start3A_750 : memref<1x1x128xi32, #tpu.memory_space<vmem>> -> memref<128xi32, #tpu.memory_space<vmem>>
      %dma_start3A_752 = arith.constant 0 : i32
      %dma_start3A_753 = arith.constant 0 : i32
      %dma_start3A_754 = tpu.memref_slice %arg3[%dma_start3A_752, %dma_start3A_753] : memref<100000x128xf32, #tpu.memory_space<hbm>> -> memref<100000x128xf32, #tpu.memory_space<hbm>>
      tpu.enqueue_indirect_dma source(%dma_start3A_754 : memref<100000x128xf32, #tpu.memory_space<hbm>>) target(%dma_start3A_748 : memref<128x128xf32, #tpu.memory_space<vmem>>) offsets(%dma_start3A_751 : memref<128xi32, #tpu.memory_space<vmem>>) semaphore(%arg11 : memref<!tpu.dma_semaphore, #tpu.memory_space<semaphore_mem>>)
      %dma_wait3A_755 = arith.constant 0 : i32
      %dma_wait3A_756 = arith.constant 0 : i32
      %dma_wait3A_757 = arith.constant 1 : i32
      %dma_wait3A_758 = arith.constant 0 : i32
      %dma_wait3A_759 = arith.constant 0 : i32
      %dma_wait3A_760 = tpu.memref_slice %arg6[%dma_wait3A_757, %dma_wait3A_758, %dma_wait3A_759] : memref<6x128x128xf32, #tpu.memory_space<vmem>> -> memref<1x128x128xf32, #tpu.memory_space<vmem>>
      %dma_wait3A_761 = tpu.memref_squeeze %dma_wait3A_760 : memref<1x128x128xf32, #tpu.memory_space<vmem>> -> memref<128x128xf32, #tpu.memory_space<vmem>>
      %dma_wait3A_762 = arith.constant 0 : i32
      %dma_wait3A_763 = tpu.memref_slice %arg5[%dma_wait3A_755, %dma_wait3A_756, %dma_wait3A_762] : memref<50x1x128xi32, #tpu.memory_space<vmem>> -> memref<1x1x128xi32, #tpu.memory_space<vmem>>
      %dma_wait3A_764 = tpu.memref_squeeze %dma_wait3A_763 : memref<1x1x128xi32, #tpu.memory_space<vmem>> -> memref<128xi32, #tpu.memory_space<vmem>>
      %dma_wait3A_765 = arith.constant 0 : i32
      %dma_wait3A_766 = arith.constant 0 : i32
      %dma_wait3A_767 = tpu.memref_slice %arg3[%dma_wait3A_765, %dma_wait3A_766] : memref<100000x128xf32, #tpu.memory_space<hbm>> -> memref<100000x128xf32, #tpu.memory_space<hbm>>
      tpu.wait_indirect_dma semaphore(%arg8 : memref<!tpu.dma_semaphore, #tpu.memory_space<semaphore_mem>>) src(%dma_wait3A_767 : memref<100000x128xf32, #tpu.memory_space<hbm>>) dst(%dma_wait3A_761 : memref<128x128xf32, #tpu.memory_space<vmem>>)
      %add3A_768 = arith.constant 4 : i32
      %add3A_769 = arith.addi %add3A_474, %add3A_768 : i32
      %dma_start3A_770 = arith.constant 1 : i32
      %dma_start3A_771 = arith.constant 0 : i32
      %dma_start3A_772 = arith.constant 0 : i32
      %dma_start3A_773 = tpu.memref_slice %arg6[%dma_start3A_770, %dma_start3A_771, %dma_start3A_772] : memref<6x128x128xf32, #tpu.memory_space<vmem>> -> memref<1x128x128xf32, #tpu.memory_space<vmem>>
      %dma_start3A_774 = tpu.memref_squeeze %dma_start3A_773 : memref<1x128x128xf32, #tpu.memory_space<vmem>> -> memref<128x128xf32, #tpu.memory_space<vmem>>
      %dma_start3A_775 = arith.constant 0 : i32
      %dma_start3A_776 = tpu.memref_slice %arg4[%add3A_769, %mul3A_2, %dma_start3A_775] : memref<50x4096x128xf32, #tpu.memory_space<hbm>> -> memref<1x128x128xf32, #tpu.memory_space<hbm>>
      %dma_start3A_777 = tpu.memref_squeeze %dma_start3A_776 : memref<1x128x128xf32, #tpu.memory_space<hbm>> -> memref<128x128xf32, #tpu.memory_space<hbm>>
      %dma_start3A_778 = arith.constant 0 : i32
      %dma_start3A_779 = tpu.memref_slice %arg4[%add3A_769, %mul3A_2, %dma_start3A_778] : memref<50x4096x128xf32, #tpu.memory_space<hbm>> -> memref<1x128x128xf32, #tpu.memory_space<hbm>>
      %dma_start3A_780 = tpu.memref_squeeze %dma_start3A_779 : memref<1x128x128xf32, #tpu.memory_space<hbm>> -> memref<128x128xf32, #tpu.memory_space<hbm>>
      %dma_start3A_781 = arith.constant 0 : i32
      %dma_start3A_782 = arith.constant 0 : i32
      %dma_start3A_783 = tpu.memref_slice %arg6[%dma_start3A_770, %dma_start3A_781, %dma_start3A_782] : memref<6x128x128xf32, #tpu.memory_space<vmem>> -> memref<1x128x128xf32, #tpu.memory_space<vmem>>
      %dma_start3A_784 = tpu.memref_squeeze %dma_start3A_783 : memref<1x128x128xf32, #tpu.memory_space<vmem>> -> memref<128x128xf32, #tpu.memory_space<vmem>>
      tpu.enqueue_dma source(%dma_start3A_784 : memref<128x128xf32, #tpu.memory_space<vmem>>) target(%dma_start3A_780 : memref<128x128xf32, #tpu.memory_space<hbm>>) target_semaphore(%arg14 : memref<!tpu.dma_semaphore, #tpu.memory_space<semaphore_mem>>)
      %dma_wait3A_785 = arith.constant 5 : i32
      %dma_wait3A_786 = arith.constant 0 : i32
      %dma_wait3A_787 = arith.constant 0 : i32
      %dma_wait3A_788 = arith.constant 0 : i32
      %dma_wait3A_789 = tpu.memref_slice %arg6[%dma_wait3A_785, %dma_wait3A_787, %dma_wait3A_788] : memref<6x128x128xf32, #tpu.memory_space<vmem>> -> memref<1x128x128xf32, #tpu.memory_space<vmem>>
      %dma_wait3A_790 = tpu.memref_squeeze %dma_wait3A_789 : memref<1x128x128xf32, #tpu.memory_space<vmem>> -> memref<128x128xf32, #tpu.memory_space<vmem>>
      %dma_wait3A_791 = arith.constant 0 : i32
      %dma_wait3A_792 = tpu.memref_slice %arg4[%dma_wait3A_786, %mul3A_2, %dma_wait3A_791] : memref<50x4096x128xf32, #tpu.memory_space<hbm>> -> memref<1x128x128xf32, #tpu.memory_space<hbm>>
      %dma_wait3A_793 = tpu.memref_squeeze %dma_wait3A_792 : memref<1x128x128xf32, #tpu.memory_space<hbm>> -> memref<128x128xf32, #tpu.memory_space<hbm>>
      %dma_wait3A_794 = arith.constant 0 : i32
      %dma_wait3A_795 = tpu.memref_slice %arg4[%dma_wait3A_786, %mul3A_2, %dma_wait3A_794] : memref<50x4096x128xf32, #tpu.memory_space<hbm>> -> memref<1x128x128xf32, #tpu.memory_space<hbm>>
      %dma_wait3A_796 = tpu.memref_squeeze %dma_wait3A_795 : memref<1x128x128xf32, #tpu.memory_space<hbm>> -> memref<128x128xf32, #tpu.memory_space<hbm>>
      %dma_wait3A_797 = arith.constant 0 : i32
      %dma_wait3A_798 = arith.constant 0 : i32
      %dma_wait3A_799 = tpu.memref_slice %arg6[%dma_wait3A_785, %dma_wait3A_797, %dma_wait3A_798] : memref<6x128x128xf32, #tpu.memory_space<vmem>> -> memref<1x128x128xf32, #tpu.memory_space<vmem>>
      %dma_wait3A_800 = tpu.memref_squeeze %dma_wait3A_799 : memref<1x128x128xf32, #tpu.memory_space<vmem>> -> memref<128x128xf32, #tpu.memory_space<vmem>>
      tpu.wait_dma2 semaphore(%arg18 : memref<!tpu.dma_semaphore, #tpu.memory_space<semaphore_mem>>) src(%dma_wait3A_800 : memref<128x128xf32, #tpu.memory_space<vmem>>) dst(%dma_wait3A_796 : memref<128x128xf32, #tpu.memory_space<hbm>>)
      %add3A_801 = arith.constant 5 : i32
      %add3A_802 = arith.addi %add3A_474, %add3A_801 : i32
      %add3A_803 = arith.constant 3 : i32
      %add3A_804 = arith.addi %add3A_802, %add3A_803 : i32
      %dma_start3A_805 = arith.constant 0 : i32
      %dma_start3A_806 = arith.constant 5 : i32
      %dma_start3A_807 = arith.constant 0 : i32
      %dma_start3A_808 = arith.constant 0 : i32
      %dma_start3A_809 = tpu.memref_slice %arg6[%dma_start3A_806, %dma_start3A_807, %dma_start3A_808] : memref<6x128x128xf32, #tpu.memory_space<vmem>> -> memref<1x128x128xf32, #tpu.memory_space<vmem>>
      %dma_start3A_810 = tpu.memref_squeeze %dma_start3A_809 : memref<1x128x128xf32, #tpu.memory_space<vmem>> -> memref<128x128xf32, #tpu.memory_space<vmem>>
      %dma_start3A_811 = arith.constant 0 : i32
      %dma_start3A_812 = tpu.memref_slice %arg5[%add3A_804, %dma_start3A_805, %dma_start3A_811] : memref<50x1x128xi32, #tpu.memory_space<vmem>> -> memref<1x1x128xi32, #tpu.memory_space<vmem>>
      %dma_start3A_813 = tpu.memref_squeeze %dma_start3A_812 : memref<1x1x128xi32, #tpu.memory_space<vmem>> -> memref<128xi32, #tpu.memory_space<vmem>>
      %dma_start3A_814 = arith.constant 0 : i32
      %dma_start3A_815 = arith.constant 0 : i32
      %dma_start3A_816 = tpu.memref_slice %arg3[%dma_start3A_814, %dma_start3A_815] : memref<100000x128xf32, #tpu.memory_space<hbm>> -> memref<100000x128xf32, #tpu.memory_space<hbm>>
      tpu.enqueue_indirect_dma source(%dma_start3A_816 : memref<100000x128xf32, #tpu.memory_space<hbm>>) target(%dma_start3A_810 : memref<128x128xf32, #tpu.memory_space<vmem>>) offsets(%dma_start3A_813 : memref<128xi32, #tpu.memory_space<vmem>>) semaphore(%arg12 : memref<!tpu.dma_semaphore, #tpu.memory_space<semaphore_mem>>)
      %dma_wait3A_817 = arith.constant 0 : i32
      %dma_wait3A_818 = arith.constant 0 : i32
      %dma_wait3A_819 = arith.constant 2 : i32
      %dma_wait3A_820 = arith.constant 0 : i32
      %dma_wait3A_821 = arith.constant 0 : i32
      %dma_wait3A_822 = tpu.memref_slice %arg6[%dma_wait3A_819, %dma_wait3A_820, %dma_wait3A_821] : memref<6x128x128xf32, #tpu.memory_space<vmem>> -> memref<1x128x128xf32, #tpu.memory_space<vmem>>
      %dma_wait3A_823 = tpu.memref_squeeze %dma_wait3A_822 : memref<1x128x128xf32, #tpu.memory_space<vmem>> -> memref<128x128xf32, #tpu.memory_space<vmem>>
      %dma_wait3A_824 = arith.constant 0 : i32
      %dma_wait3A_825 = tpu.memref_slice %arg5[%dma_wait3A_817, %dma_wait3A_818, %dma_wait3A_824] : memref<50x1x128xi32, #tpu.memory_space<vmem>> -> memref<1x1x128xi32, #tpu.memory_space<vmem>>
      %dma_wait3A_826 = tpu.memref_squeeze %dma_wait3A_825 : memref<1x1x128xi32, #tpu.memory_space<vmem>> -> memref<128xi32, #tpu.memory_space<vmem>>
      %dma_wait3A_827 = arith.constant 0 : i32
      %dma_wait3A_828 = arith.constant 0 : i32
      %dma_wait3A_829 = tpu.memref_slice %arg3[%dma_wait3A_827, %dma_wait3A_828] : memref<100000x128xf32, #tpu.memory_space<hbm>> -> memref<100000x128xf32, #tpu.memory_space<hbm>>
      tpu.wait_indirect_dma semaphore(%arg9 : memref<!tpu.dma_semaphore, #tpu.memory_space<semaphore_mem>>) src(%dma_wait3A_829 : memref<100000x128xf32, #tpu.memory_space<hbm>>) dst(%dma_wait3A_823 : memref<128x128xf32, #tpu.memory_space<vmem>>)
      %add3A_830 = arith.constant 5 : i32
      %add3A_831 = arith.addi %add3A_474, %add3A_830 : i32
      %dma_start3A_832 = arith.constant 2 : i32
      %dma_start3A_833 = arith.constant 0 : i32
      %dma_start3A_834 = arith.constant 0 : i32
      %dma_start3A_835 = tpu.memref_slice %arg6[%dma_start3A_832, %dma_start3A_833, %dma_start3A_834] : memref<6x128x128xf32, #tpu.memory_space<vmem>> -> memref<1x128x128xf32, #tpu.memory_space<vmem>>
      %dma_start3A_836 = tpu.memref_squeeze %dma_start3A_835 : memref<1x128x128xf32, #tpu.memory_space<vmem>> -> memref<128x128xf32, #tpu.memory_space<vmem>>
      %dma_start3A_837 = arith.constant 0 : i32
      %dma_start3A_838 = tpu.memref_slice %arg4[%add3A_831, %mul3A_2, %dma_start3A_837] : memref<50x4096x128xf32, #tpu.memory_space<hbm>> -> memref<1x128x128xf32, #tpu.memory_space<hbm>>
      %dma_start3A_839 = tpu.memref_squeeze %dma_start3A_838 : memref<1x128x128xf32, #tpu.memory_space<hbm>> -> memref<128x128xf32, #tpu.memory_space<hbm>>
      %dma_start3A_840 = arith.constant 0 : i32
      %dma_start3A_841 = tpu.memref_slice %arg4[%add3A_831, %mul3A_2, %dma_start3A_840] : memref<50x4096x128xf32, #tpu.memory_space<hbm>> -> memref<1x128x128xf32, #tpu.memory_space<hbm>>
      %dma_start3A_842 = tpu.memref_squeeze %dma_start3A_841 : memref<1x128x128xf32, #tpu.memory_space<hbm>> -> memref<128x128xf32, #tpu.memory_space<hbm>>
      %dma_start3A_843 = arith.constant 0 : i32
      %dma_start3A_844 = arith.constant 0 : i32
      %dma_start3A_845 = tpu.memref_slice %arg6[%dma_start3A_832, %dma_start3A_843, %dma_start3A_844] : memref<6x128x128xf32, #tpu.memory_space<vmem>> -> memref<1x128x128xf32, #tpu.memory_space<vmem>>
      %dma_start3A_846 = tpu.memref_squeeze %dma_start3A_845 : memref<1x128x128xf32, #tpu.memory_space<vmem>> -> memref<128x128xf32, #tpu.memory_space<vmem>>
      tpu.enqueue_dma source(%dma_start3A_846 : memref<128x128xf32, #tpu.memory_space<vmem>>) target(%dma_start3A_842 : memref<128x128xf32, #tpu.memory_space<hbm>>) target_semaphore(%arg15 : memref<!tpu.dma_semaphore, #tpu.memory_space<semaphore_mem>>)
    }
    %scan3A_170 = arith.constant 7 : i32
    %dma_wait3A_171 = arith.constant 0 : i32
    %dma_wait3A_172 = arith.constant 0 : i32
    %dma_wait3A_173 = arith.constant 0 : i32
    %dma_wait3A_174 = arith.constant 0 : i32
    %dma_wait3A_175 = tpu.memref_slice %arg6[%dma_wait3A_171, %dma_wait3A_173, %dma_wait3A_174] : memref<6x128x128xf32, #tpu.memory_space<vmem>> -> memref<1x128x128xf32, #tpu.memory_space<vmem>>
    %dma_wait3A_176 = tpu.memref_squeeze %dma_wait3A_175 : memref<1x128x128xf32, #tpu.memory_space<vmem>> -> memref<128x128xf32, #tpu.memory_space<vmem>>
    %dma_wait3A_177 = arith.constant 0 : i32
    %dma_wait3A_178 = tpu.memref_slice %arg4[%dma_wait3A_172, %mul3A_2, %dma_wait3A_177] : memref<50x4096x128xf32, #tpu.memory_space<hbm>> -> memref<1x128x128xf32, #tpu.memory_space<hbm>>
    %dma_wait3A_179 = tpu.memref_squeeze %dma_wait3A_178 : memref<1x128x128xf32, #tpu.memory_space<hbm>> -> memref<128x128xf32, #tpu.memory_space<hbm>>
    %dma_wait3A_180 = arith.constant 0 : i32
    %dma_wait3A_181 = tpu.memref_slice %arg4[%dma_wait3A_172, %mul3A_2, %dma_wait3A_180] : memref<50x4096x128xf32, #tpu.memory_space<hbm>> -> memref<1x128x128xf32, #tpu.memory_space<hbm>>
    %dma_wait3A_182 = tpu.memref_squeeze %dma_wait3A_181 : memref<1x128x128xf32, #tpu.memory_space<hbm>> -> memref<128x128xf32, #tpu.memory_space<hbm>>
    %dma_wait3A_183 = arith.constant 0 : i32
    %dma_wait3A_184 = arith.constant 0 : i32
    %dma_wait3A_185 = tpu.memref_slice %arg6[%dma_wait3A_171, %dma_wait3A_183, %dma_wait3A_184] : memref<6x128x128xf32, #tpu.memory_space<vmem>> -> memref<1x128x128xf32, #tpu.memory_space<vmem>>
    %dma_wait3A_186 = tpu.memref_squeeze %dma_wait3A_185 : memref<1x128x128xf32, #tpu.memory_space<vmem>> -> memref<128x128xf32, #tpu.memory_space<vmem>>
    tpu.wait_dma2 semaphore(%arg13 : memref<!tpu.dma_semaphore, #tpu.memory_space<semaphore_mem>>) src(%dma_wait3A_186 : memref<128x128xf32, #tpu.memory_space<vmem>>) dst(%dma_wait3A_182 : memref<128x128xf32, #tpu.memory_space<hbm>>)
    %dma_start3A_187 = arith.constant 48 : i32
    %dma_start3A_188 = arith.constant 0 : i32
    %dma_start3A_189 = arith.constant 0 : i32
    %dma_start3A_190 = arith.constant 0 : i32
    %dma_start3A_191 = arith.constant 0 : i32
    %dma_start3A_192 = tpu.memref_slice %arg6[%dma_start3A_189, %dma_start3A_190, %dma_start3A_191] : memref<6x128x128xf32, #tpu.memory_space<vmem>> -> memref<1x128x128xf32, #tpu.memory_space<vmem>>
    %dma_start3A_193 = tpu.memref_squeeze %dma_start3A_192 : memref<1x128x128xf32, #tpu.memory_space<vmem>> -> memref<128x128xf32, #tpu.memory_space<vmem>>
    %dma_start3A_194 = arith.constant 0 : i32
    %dma_start3A_195 = tpu.memref_slice %arg5[%dma_start3A_187, %dma_start3A_188, %dma_start3A_194] : memref<50x1x128xi32, #tpu.memory_space<vmem>> -> memref<1x1x128xi32, #tpu.memory_space<vmem>>
    %dma_start3A_196 = tpu.memref_squeeze %dma_start3A_195 : memref<1x1x128xi32, #tpu.memory_space<vmem>> -> memref<128xi32, #tpu.memory_space<vmem>>
    %dma_start3A_197 = arith.constant 0 : i32
    %dma_start3A_198 = arith.constant 0 : i32
    %dma_start3A_199 = tpu.memref_slice %arg3[%dma_start3A_197, %dma_start3A_198] : memref<100000x128xf32, #tpu.memory_space<hbm>> -> memref<100000x128xf32, #tpu.memory_space<hbm>>
    tpu.enqueue_indirect_dma source(%dma_start3A_199 : memref<100000x128xf32, #tpu.memory_space<hbm>>) target(%dma_start3A_193 : memref<128x128xf32, #tpu.memory_space<vmem>>) offsets(%dma_start3A_196 : memref<128xi32, #tpu.memory_space<vmem>>) semaphore(%arg7 : memref<!tpu.dma_semaphore, #tpu.memory_space<semaphore_mem>>)
    %dma_wait3A_200 = arith.constant 0 : i32
    %dma_wait3A_201 = arith.constant 0 : i32
    %dma_wait3A_202 = arith.constant 3 : i32
    %dma_wait3A_203 = arith.constant 0 : i32
    %dma_wait3A_204 = arith.constant 0 : i32
    %dma_wait3A_205 = tpu.memref_slice %arg6[%dma_wait3A_202, %dma_wait3A_203, %dma_wait3A_204] : memref<6x128x128xf32, #tpu.memory_space<vmem>> -> memref<1x128x128xf32, #tpu.memory_space<vmem>>
    %dma_wait3A_206 = tpu.memref_squeeze %dma_wait3A_205 : memref<1x128x128xf32, #tpu.memory_space<vmem>> -> memref<128x128xf32, #tpu.memory_space<vmem>>
    %dma_wait3A_207 = arith.constant 0 : i32
    %dma_wait3A_208 = tpu.memref_slice %arg5[%dma_wait3A_200, %dma_wait3A_201, %dma_wait3A_207] : memref<50x1x128xi32, #tpu.memory_space<vmem>> -> memref<1x1x128xi32, #tpu.memory_space<vmem>>
    %dma_wait3A_209 = tpu.memref_squeeze %dma_wait3A_208 : memref<1x1x128xi32, #tpu.memory_space<vmem>> -> memref<128xi32, #tpu.memory_space<vmem>>
    %dma_wait3A_210 = arith.constant 0 : i32
    %dma_wait3A_211 = arith.constant 0 : i32
    %dma_wait3A_212 = tpu.memref_slice %arg3[%dma_wait3A_210, %dma_wait3A_211] : memref<100000x128xf32, #tpu.memory_space<hbm>> -> memref<100000x128xf32, #tpu.memory_space<hbm>>
    tpu.wait_indirect_dma semaphore(%arg10 : memref<!tpu.dma_semaphore, #tpu.memory_space<semaphore_mem>>) src(%dma_wait3A_212 : memref<100000x128xf32, #tpu.memory_space<hbm>>) dst(%dma_wait3A_206 : memref<128x128xf32, #tpu.memory_space<vmem>>)
    %dma_start3A_213 = arith.constant 3 : i32
    %dma_start3A_214 = arith.constant 45 : i32
    %dma_start3A_215 = arith.constant 0 : i32
    %dma_start3A_216 = arith.constant 0 : i32
    %dma_start3A_217 = tpu.memref_slice %arg6[%dma_start3A_213, %dma_start3A_215, %dma_start3A_216] : memref<6x128x128xf32, #tpu.memory_space<vmem>> -> memref<1x128x128xf32, #tpu.memory_space<vmem>>
    %dma_start3A_218 = tpu.memref_squeeze %dma_start3A_217 : memref<1x128x128xf32, #tpu.memory_space<vmem>> -> memref<128x128xf32, #tpu.memory_space<vmem>>
    %dma_start3A_219 = arith.constant 0 : i32
    %dma_start3A_220 = tpu.memref_slice %arg4[%dma_start3A_214, %mul3A_2, %dma_start3A_219] : memref<50x4096x128xf32, #tpu.memory_space<hbm>> -> memref<1x128x128xf32, #tpu.memory_space<hbm>>
    %dma_start3A_221 = tpu.memref_squeeze %dma_start3A_220 : memref<1x128x128xf32, #tpu.memory_space<hbm>> -> memref<128x128xf32, #tpu.memory_space<hbm>>
    %dma_start3A_222 = arith.constant 0 : i32
    %dma_start3A_223 = tpu.memref_slice %arg4[%dma_start3A_214, %mul3A_2, %dma_start3A_222] : memref<50x4096x128xf32, #tpu.memory_space<hbm>> -> memref<1x128x128xf32, #tpu.memory_space<hbm>>
    %dma_start3A_224 = tpu.memref_squeeze %dma_start3A_223 : memref<1x128x128xf32, #tpu.memory_space<hbm>> -> memref<128x128xf32, #tpu.memory_space<hbm>>
    %dma_start3A_225 = arith.constant 0 : i32
    %dma_start3A_226 = arith.constant 0 : i32
    %dma_start3A_227 = tpu.memref_slice %arg6[%dma_start3A_213, %dma_start3A_225, %dma_start3A_226] : memref<6x128x128xf32, #tpu.memory_space<vmem>> -> memref<1x128x128xf32, #tpu.memory_space<vmem>>
    %dma_start3A_228 = tpu.memref_squeeze %dma_start3A_227 : memref<1x128x128xf32, #tpu.memory_space<vmem>> -> memref<128x128xf32, #tpu.memory_space<vmem>>
    tpu.enqueue_dma source(%dma_start3A_228 : memref<128x128xf32, #tpu.memory_space<vmem>>) target(%dma_start3A_224 : memref<128x128xf32, #tpu.memory_space<hbm>>) target_semaphore(%arg16 : memref<!tpu.dma_semaphore, #tpu.memory_space<semaphore_mem>>)
    %dma_wait3A_229 = arith.constant 1 : i32
    %dma_wait3A_230 = arith.constant 0 : i32
    %dma_wait3A_231 = arith.constant 0 : i32
    %dma_wait3A_232 = arith.constant 0 : i32
    %dma_wait3A_233 = tpu.memref_slice %arg6[%dma_wait3A_229, %dma_wait3A_231, %dma_wait3A_232] : memref<6x128x128xf32, #tpu.memory_space<vmem>> -> memref<1x128x128xf32, #tpu.memory_space<vmem>>
    %dma_wait3A_234 = tpu.memref_squeeze %dma_wait3A_233 : memref<1x128x128xf32, #tpu.memory_space<vmem>> -> memref<128x128xf32, #tpu.memory_space<vmem>>
    %dma_wait3A_235 = arith.constant 0 : i32
    %dma_wait3A_236 = tpu.memref_slice %arg4[%dma_wait3A_230, %mul3A_2, %dma_wait3A_235] : memref<50x4096x128xf32, #tpu.memory_space<hbm>> -> memref<1x128x128xf32, #tpu.memory_space<hbm>>
    %dma_wait3A_237 = tpu.memref_squeeze %dma_wait3A_236 : memref<1x128x128xf32, #tpu.memory_space<hbm>> -> memref<128x128xf32, #tpu.memory_space<hbm>>
    %dma_wait3A_238 = arith.constant 0 : i32
    %dma_wait3A_239 = tpu.memref_slice %arg4[%dma_wait3A_230, %mul3A_2, %dma_wait3A_238] : memref<50x4096x128xf32, #tpu.memory_space<hbm>> -> memref<1x128x128xf32, #tpu.memory_space<hbm>>
    %dma_wait3A_240 = tpu.memref_squeeze %dma_wait3A_239 : memref<1x128x128xf32, #tpu.memory_space<hbm>> -> memref<128x128xf32, #tpu.memory_space<hbm>>
    %dma_wait3A_241 = arith.constant 0 : i32
    %dma_wait3A_242 = arith.constant 0 : i32
    %dma_wait3A_243 = tpu.memref_slice %arg6[%dma_wait3A_229, %dma_wait3A_241, %dma_wait3A_242] : memref<6x128x128xf32, #tpu.memory_space<vmem>> -> memref<1x128x128xf32, #tpu.memory_space<vmem>>
    %dma_wait3A_244 = tpu.memref_squeeze %dma_wait3A_243 : memref<1x128x128xf32, #tpu.memory_space<vmem>> -> memref<128x128xf32, #tpu.memory_space<vmem>>
    tpu.wait_dma2 semaphore(%arg14 : memref<!tpu.dma_semaphore, #tpu.memory_space<semaphore_mem>>) src(%dma_wait3A_244 : memref<128x128xf32, #tpu.memory_space<vmem>>) dst(%dma_wait3A_240 : memref<128x128xf32, #tpu.memory_space<hbm>>)
    %dma_start3A_245 = arith.constant 49 : i32
    %dma_start3A_246 = arith.constant 0 : i32
    %dma_start3A_247 = arith.constant 1 : i32
    %dma_start3A_248 = arith.constant 0 : i32
    %dma_start3A_249 = arith.constant 0 : i32
    %dma_start3A_250 = tpu.memref_slice %arg6[%dma_start3A_247, %dma_start3A_248, %dma_start3A_249] : memref<6x128x128xf32, #tpu.memory_space<vmem>> -> memref<1x128x128xf32, #tpu.memory_space<vmem>>
    %dma_start3A_251 = tpu.memref_squeeze %dma_start3A_250 : memref<1x128x128xf32, #tpu.memory_space<vmem>> -> memref<128x128xf32, #tpu.memory_space<vmem>>
    %dma_start3A_252 = arith.constant 0 : i32
    %dma_start3A_253 = tpu.memref_slice %arg5[%dma_start3A_245, %dma_start3A_246, %dma_start3A_252] : memref<50x1x128xi32, #tpu.memory_space<vmem>> -> memref<1x1x128xi32, #tpu.memory_space<vmem>>
    %dma_start3A_254 = tpu.memref_squeeze %dma_start3A_253 : memref<1x1x128xi32, #tpu.memory_space<vmem>> -> memref<128xi32, #tpu.memory_space<vmem>>
    %dma_start3A_255 = arith.constant 0 : i32
    %dma_start3A_256 = arith.constant 0 : i32
    %dma_start3A_257 = tpu.memref_slice %arg3[%dma_start3A_255, %dma_start3A_256] : memref<100000x128xf32, #tpu.memory_space<hbm>> -> memref<100000x128xf32, #tpu.memory_space<hbm>>
    tpu.enqueue_indirect_dma source(%dma_start3A_257 : memref<100000x128xf32, #tpu.memory_space<hbm>>) target(%dma_start3A_251 : memref<128x128xf32, #tpu.memory_space<vmem>>) offsets(%dma_start3A_254 : memref<128xi32, #tpu.memory_space<vmem>>) semaphore(%arg8 : memref<!tpu.dma_semaphore, #tpu.memory_space<semaphore_mem>>)
    %dma_wait3A_258 = arith.constant 0 : i32
    %dma_wait3A_259 = arith.constant 0 : i32
    %dma_wait3A_260 = arith.constant 4 : i32
    %dma_wait3A_261 = arith.constant 0 : i32
    %dma_wait3A_262 = arith.constant 0 : i32
    %dma_wait3A_263 = tpu.memref_slice %arg6[%dma_wait3A_260, %dma_wait3A_261, %dma_wait3A_262] : memref<6x128x128xf32, #tpu.memory_space<vmem>> -> memref<1x128x128xf32, #tpu.memory_space<vmem>>
    %dma_wait3A_264 = tpu.memref_squeeze %dma_wait3A_263 : memref<1x128x128xf32, #tpu.memory_space<vmem>> -> memref<128x128xf32, #tpu.memory_space<vmem>>
    %dma_wait3A_265 = arith.constant 0 : i32
    %dma_wait3A_266 = tpu.memref_slice %arg5[%dma_wait3A_258, %dma_wait3A_259, %dma_wait3A_265] : memref<50x1x128xi32, #tpu.memory_space<vmem>> -> memref<1x1x128xi32, #tpu.memory_space<vmem>>
    %dma_wait3A_267 = tpu.memref_squeeze %dma_wait3A_266 : memref<1x1x128xi32, #tpu.memory_space<vmem>> -> memref<128xi32, #tpu.memory_space<vmem>>
    %dma_wait3A_268 = arith.constant 0 : i32
    %dma_wait3A_269 = arith.constant 0 : i32
    %dma_wait3A_270 = tpu.memref_slice %arg3[%dma_wait3A_268, %dma_wait3A_269] : memref<100000x128xf32, #tpu.memory_space<hbm>> -> memref<100000x128xf32, #tpu.memory_space<hbm>>
    tpu.wait_indirect_dma semaphore(%arg11 : memref<!tpu.dma_semaphore, #tpu.memory_space<semaphore_mem>>) src(%dma_wait3A_270 : memref<100000x128xf32, #tpu.memory_space<hbm>>) dst(%dma_wait3A_264 : memref<128x128xf32, #tpu.memory_space<vmem>>)
    %dma_start3A_271 = arith.constant 4 : i32
    %dma_start3A_272 = arith.constant 46 : i32
    %dma_start3A_273 = arith.constant 0 : i32
    %dma_start3A_274 = arith.constant 0 : i32
    %dma_start3A_275 = tpu.memref_slice %arg6[%dma_start3A_271, %dma_start3A_273, %dma_start3A_274] : memref<6x128x128xf32, #tpu.memory_space<vmem>> -> memref<1x128x128xf32, #tpu.memory_space<vmem>>
    %dma_start3A_276 = tpu.memref_squeeze %dma_start3A_275 : memref<1x128x128xf32, #tpu.memory_space<vmem>> -> memref<128x128xf32, #tpu.memory_space<vmem>>
    %dma_start3A_277 = arith.constant 0 : i32
    %dma_start3A_278 = tpu.memref_slice %arg4[%dma_start3A_272, %mul3A_2, %dma_start3A_277] : memref<50x4096x128xf32, #tpu.memory_space<hbm>> -> memref<1x128x128xf32, #tpu.memory_space<hbm>>
    %dma_start3A_279 = tpu.memref_squeeze %dma_start3A_278 : memref<1x128x128xf32, #tpu.memory_space<hbm>> -> memref<128x128xf32, #tpu.memory_space<hbm>>
    %dma_start3A_280 = arith.constant 0 : i32
    %dma_start3A_281 = tpu.memref_slice %arg4[%dma_start3A_272, %mul3A_2, %dma_start3A_280] : memref<50x4096x128xf32, #tpu.memory_space<hbm>> -> memref<1x128x128xf32, #tpu.memory_space<hbm>>
    %dma_start3A_282 = tpu.memref_squeeze %dma_start3A_281 : memref<1x128x128xf32, #tpu.memory_space<hbm>> -> memref<128x128xf32, #tpu.memory_space<hbm>>
    %dma_start3A_283 = arith.constant 0 : i32
    %dma_start3A_284 = arith.constant 0 : i32
    %dma_start3A_285 = tpu.memref_slice %arg6[%dma_start3A_271, %dma_start3A_283, %dma_start3A_284] : memref<6x128x128xf32, #tpu.memory_space<vmem>> -> memref<1x128x128xf32, #tpu.memory_space<vmem>>
    %dma_start3A_286 = tpu.memref_squeeze %dma_start3A_285 : memref<1x128x128xf32, #tpu.memory_space<vmem>> -> memref<128x128xf32, #tpu.memory_space<vmem>>
    tpu.enqueue_dma source(%dma_start3A_286 : memref<128x128xf32, #tpu.memory_space<vmem>>) target(%dma_start3A_282 : memref<128x128xf32, #tpu.memory_space<hbm>>) target_semaphore(%arg17 : memref<!tpu.dma_semaphore, #tpu.memory_space<semaphore_mem>>)
    %dma_wait3A_287 = arith.constant 0 : i32
    %dma_wait3A_288 = arith.constant 0 : i32
    %dma_wait3A_289 = arith.constant 5 : i32
    %dma_wait3A_290 = arith.constant 0 : i32
    %dma_wait3A_291 = arith.constant 0 : i32
    %dma_wait3A_292 = tpu.memref_slice %arg6[%dma_wait3A_289, %dma_wait3A_290, %dma_wait3A_291] : memref<6x128x128xf32, #tpu.memory_space<vmem>> -> memref<1x128x128xf32, #tpu.memory_space<vmem>>
    %dma_wait3A_293 = tpu.memref_squeeze %dma_wait3A_292 : memref<1x128x128xf32, #tpu.memory_space<vmem>> -> memref<128x128xf32, #tpu.memory_space<vmem>>
    %dma_wait3A_294 = arith.constant 0 : i32
    %dma_wait3A_295 = tpu.memref_slice %arg5[%dma_wait3A_287, %dma_wait3A_288, %dma_wait3A_294] : memref<50x1x128xi32, #tpu.memory_space<vmem>> -> memref<1x1x128xi32, #tpu.memory_space<vmem>>
    %dma_wait3A_296 = tpu.memref_squeeze %dma_wait3A_295 : memref<1x1x128xi32, #tpu.memory_space<vmem>> -> memref<128xi32, #tpu.memory_space<vmem>>
    %dma_wait3A_297 = arith.constant 0 : i32
    %dma_wait3A_298 = arith.constant 0 : i32
    %dma_wait3A_299 = tpu.memref_slice %arg3[%dma_wait3A_297, %dma_wait3A_298] : memref<100000x128xf32, #tpu.memory_space<hbm>> -> memref<100000x128xf32, #tpu.memory_space<hbm>>
    tpu.wait_indirect_dma semaphore(%arg12 : memref<!tpu.dma_semaphore, #tpu.memory_space<semaphore_mem>>) src(%dma_wait3A_299 : memref<100000x128xf32, #tpu.memory_space<hbm>>) dst(%dma_wait3A_293 : memref<128x128xf32, #tpu.memory_space<vmem>>)
    %dma_start3A_300 = arith.constant 5 : i32
    %dma_start3A_301 = arith.constant 47 : i32
    %dma_start3A_302 = arith.constant 0 : i32
    %dma_start3A_303 = arith.constant 0 : i32
    %dma_start3A_304 = tpu.memref_slice %arg6[%dma_start3A_300, %dma_start3A_302, %dma_start3A_303] : memref<6x128x128xf32, #tpu.memory_space<vmem>> -> memref<1x128x128xf32, #tpu.memory_space<vmem>>
    %dma_start3A_305 = tpu.memref_squeeze %dma_start3A_304 : memref<1x128x128xf32, #tpu.memory_space<vmem>> -> memref<128x128xf32, #tpu.memory_space<vmem>>
    %dma_start3A_306 = arith.constant 0 : i32
    %dma_start3A_307 = tpu.memref_slice %arg4[%dma_start3A_301, %mul3A_2, %dma_start3A_306] : memref<50x4096x128xf32, #tpu.memory_space<hbm>> -> memref<1x128x128xf32, #tpu.memory_space<hbm>>
    %dma_start3A_308 = tpu.memref_squeeze %dma_start3A_307 : memref<1x128x128xf32, #tpu.memory_space<hbm>> -> memref<128x128xf32, #tpu.memory_space<hbm>>
    %dma_start3A_309 = arith.constant 0 : i32
    %dma_start3A_310 = tpu.memref_slice %arg4[%dma_start3A_301, %mul3A_2, %dma_start3A_309] : memref<50x4096x128xf32, #tpu.memory_space<hbm>> -> memref<1x128x128xf32, #tpu.memory_space<hbm>>
    %dma_start3A_311 = tpu.memref_squeeze %dma_start3A_310 : memref<1x128x128xf32, #tpu.memory_space<hbm>> -> memref<128x128xf32, #tpu.memory_space<hbm>>
    %dma_start3A_312 = arith.constant 0 : i32
    %dma_start3A_313 = arith.constant 0 : i32
    %dma_start3A_314 = tpu.memref_slice %arg6[%dma_start3A_300, %dma_start3A_312, %dma_start3A_313] : memref<6x128x128xf32, #tpu.memory_space<vmem>> -> memref<1x128x128xf32, #tpu.memory_space<vmem>>
    %dma_start3A_315 = tpu.memref_squeeze %dma_start3A_314 : memref<1x128x128xf32, #tpu.memory_space<vmem>> -> memref<128x128xf32, #tpu.memory_space<vmem>>
    tpu.enqueue_dma source(%dma_start3A_315 : memref<128x128xf32, #tpu.memory_space<vmem>>) target(%dma_start3A_311 : memref<128x128xf32, #tpu.memory_space<hbm>>) target_semaphore(%arg18 : memref<!tpu.dma_semaphore, #tpu.memory_space<semaphore_mem>>)
    %dma_wait3A_316 = arith.constant 0 : i32
    %dma_wait3A_317 = arith.constant 0 : i32
    %dma_wait3A_318 = arith.constant 0 : i32
    %dma_wait3A_319 = arith.constant 0 : i32
    %dma_wait3A_320 = arith.constant 0 : i32
    %dma_wait3A_321 = tpu.memref_slice %arg6[%dma_wait3A_318, %dma_wait3A_319, %dma_wait3A_320] : memref<6x128x128xf32, #tpu.memory_space<vmem>> -> memref<1x128x128xf32, #tpu.memory_space<vmem>>
    %dma_wait3A_322 = tpu.memref_squeeze %dma_wait3A_321 : memref<1x128x128xf32, #tpu.memory_space<vmem>> -> memref<128x128xf32, #tpu.memory_space<vmem>>
    %dma_wait3A_323 = arith.constant 0 : i32
    %dma_wait3A_324 = tpu.memref_slice %arg5[%dma_wait3A_316, %dma_wait3A_317, %dma_wait3A_323] : memref<50x1x128xi32, #tpu.memory_space<vmem>> -> memref<1x1x128xi32, #tpu.memory_space<vmem>>
    %dma_wait3A_325 = tpu.memref_squeeze %dma_wait3A_324 : memref<1x1x128xi32, #tpu.memory_space<vmem>> -> memref<128xi32, #tpu.memory_space<vmem>>
    %dma_wait3A_326 = arith.constant 0 : i32
    %dma_wait3A_327 = arith.constant 0 : i32
    %dma_wait3A_328 = tpu.memref_slice %arg3[%dma_wait3A_326, %dma_wait3A_327] : memref<100000x128xf32, #tpu.memory_space<hbm>> -> memref<100000x128xf32, #tpu.memory_space<hbm>>
    tpu.wait_indirect_dma semaphore(%arg7 : memref<!tpu.dma_semaphore, #tpu.memory_space<semaphore_mem>>) src(%dma_wait3A_328 : memref<100000x128xf32, #tpu.memory_space<hbm>>) dst(%dma_wait3A_322 : memref<128x128xf32, #tpu.memory_space<vmem>>)
    %dma_start3A_329 = arith.constant 0 : i32
    %dma_start3A_330 = arith.constant 48 : i32
    %dma_start3A_331 = arith.constant 0 : i32
    %dma_start3A_332 = arith.constant 0 : i32
    %dma_start3A_333 = tpu.memref_slice %arg6[%dma_start3A_329, %dma_start3A_331, %dma_start3A_332] : memref<6x128x128xf32, #tpu.memory_space<vmem>> -> memref<1x128x128xf32, #tpu.memory_space<vmem>>
    %dma_start3A_334 = tpu.memref_squeeze %dma_start3A_333 : memref<1x128x128xf32, #tpu.memory_space<vmem>> -> memref<128x128xf32, #tpu.memory_space<vmem>>
    %dma_start3A_335 = arith.constant 0 : i32
    %dma_start3A_336 = tpu.memref_slice %arg4[%dma_start3A_330, %mul3A_2, %dma_start3A_335] : memref<50x4096x128xf32, #tpu.memory_space<hbm>> -> memref<1x128x128xf32, #tpu.memory_space<hbm>>
    %dma_start3A_337 = tpu.memref_squeeze %dma_start3A_336 : memref<1x128x128xf32, #tpu.memory_space<hbm>> -> memref<128x128xf32, #tpu.memory_space<hbm>>
    %dma_start3A_338 = arith.constant 0 : i32
    %dma_start3A_339 = tpu.memref_slice %arg4[%dma_start3A_330, %mul3A_2, %dma_start3A_338] : memref<50x4096x128xf32, #tpu.memory_space<hbm>> -> memref<1x128x128xf32, #tpu.memory_space<hbm>>
    %dma_start3A_340 = tpu.memref_squeeze %dma_start3A_339 : memref<1x128x128xf32, #tpu.memory_space<hbm>> -> memref<128x128xf32, #tpu.memory_space<hbm>>
    %dma_start3A_341 = arith.constant 0 : i32
    %dma_start3A_342 = arith.constant 0 : i32
    %dma_start3A_343 = tpu.memref_slice %arg6[%dma_start3A_329, %dma_start3A_341, %dma_start3A_342] : memref<6x128x128xf32, #tpu.memory_space<vmem>> -> memref<1x128x128xf32, #tpu.memory_space<vmem>>
    %dma_start3A_344 = tpu.memref_squeeze %dma_start3A_343 : memref<1x128x128xf32, #tpu.memory_space<vmem>> -> memref<128x128xf32, #tpu.memory_space<vmem>>
    tpu.enqueue_dma source(%dma_start3A_344 : memref<128x128xf32, #tpu.memory_space<vmem>>) target(%dma_start3A_340 : memref<128x128xf32, #tpu.memory_space<hbm>>) target_semaphore(%arg13 : memref<!tpu.dma_semaphore, #tpu.memory_space<semaphore_mem>>)
    %dma_wait3A_345 = arith.constant 0 : i32
    %dma_wait3A_346 = arith.constant 0 : i32
    %dma_wait3A_347 = arith.constant 1 : i32
    %dma_wait3A_348 = arith.constant 0 : i32
    %dma_wait3A_349 = arith.constant 0 : i32
    %dma_wait3A_350 = tpu.memref_slice %arg6[%dma_wait3A_347, %dma_wait3A_348, %dma_wait3A_349] : memref<6x128x128xf32, #tpu.memory_space<vmem>> -> memref<1x128x128xf32, #tpu.memory_space<vmem>>
    %dma_wait3A_351 = tpu.memref_squeeze %dma_wait3A_350 : memref<1x128x128xf32, #tpu.memory_space<vmem>> -> memref<128x128xf32, #tpu.memory_space<vmem>>
    %dma_wait3A_352 = arith.constant 0 : i32
    %dma_wait3A_353 = tpu.memref_slice %arg5[%dma_wait3A_345, %dma_wait3A_346, %dma_wait3A_352] : memref<50x1x128xi32, #tpu.memory_space<vmem>> -> memref<1x1x128xi32, #tpu.memory_space<vmem>>
    %dma_wait3A_354 = tpu.memref_squeeze %dma_wait3A_353 : memref<1x1x128xi32, #tpu.memory_space<vmem>> -> memref<128xi32, #tpu.memory_space<vmem>>
    %dma_wait3A_355 = arith.constant 0 : i32
    %dma_wait3A_356 = arith.constant 0 : i32
    %dma_wait3A_357 = tpu.memref_slice %arg3[%dma_wait3A_355, %dma_wait3A_356] : memref<100000x128xf32, #tpu.memory_space<hbm>> -> memref<100000x128xf32, #tpu.memory_space<hbm>>
    tpu.wait_indirect_dma semaphore(%arg8 : memref<!tpu.dma_semaphore, #tpu.memory_space<semaphore_mem>>) src(%dma_wait3A_357 : memref<100000x128xf32, #tpu.memory_space<hbm>>) dst(%dma_wait3A_351 : memref<128x128xf32, #tpu.memory_space<vmem>>)
    %dma_start3A_358 = arith.constant 1 : i32
    %dma_start3A_359 = arith.constant 49 : i32
    %dma_start3A_360 = arith.constant 0 : i32
    %dma_start3A_361 = arith.constant 0 : i32
    %dma_start3A_362 = tpu.memref_slice %arg6[%dma_start3A_358, %dma_start3A_360, %dma_start3A_361] : memref<6x128x128xf32, #tpu.memory_space<vmem>> -> memref<1x128x128xf32, #tpu.memory_space<vmem>>
    %dma_start3A_363 = tpu.memref_squeeze %dma_start3A_362 : memref<1x128x128xf32, #tpu.memory_space<vmem>> -> memref<128x128xf32, #tpu.memory_space<vmem>>
    %dma_start3A_364 = arith.constant 0 : i32
    %dma_start3A_365 = tpu.memref_slice %arg4[%dma_start3A_359, %mul3A_2, %dma_start3A_364] : memref<50x4096x128xf32, #tpu.memory_space<hbm>> -> memref<1x128x128xf32, #tpu.memory_space<hbm>>
    %dma_start3A_366 = tpu.memref_squeeze %dma_start3A_365 : memref<1x128x128xf32, #tpu.memory_space<hbm>> -> memref<128x128xf32, #tpu.memory_space<hbm>>
    %dma_start3A_367 = arith.constant 0 : i32
    %dma_start3A_368 = tpu.memref_slice %arg4[%dma_start3A_359, %mul3A_2, %dma_start3A_367] : memref<50x4096x128xf32, #tpu.memory_space<hbm>> -> memref<1x128x128xf32, #tpu.memory_space<hbm>>
    %dma_start3A_369 = tpu.memref_squeeze %dma_start3A_368 : memref<1x128x128xf32, #tpu.memory_space<hbm>> -> memref<128x128xf32, #tpu.memory_space<hbm>>
    %dma_start3A_370 = arith.constant 0 : i32
    %dma_start3A_371 = arith.constant 0 : i32
    %dma_start3A_372 = tpu.memref_slice %arg6[%dma_start3A_358, %dma_start3A_370, %dma_start3A_371] : memref<6x128x128xf32, #tpu.memory_space<vmem>> -> memref<1x128x128xf32, #tpu.memory_space<vmem>>
    %dma_start3A_373 = tpu.memref_squeeze %dma_start3A_372 : memref<1x128x128xf32, #tpu.memory_space<vmem>> -> memref<128x128xf32, #tpu.memory_space<vmem>>
    tpu.enqueue_dma source(%dma_start3A_373 : memref<128x128xf32, #tpu.memory_space<vmem>>) target(%dma_start3A_369 : memref<128x128xf32, #tpu.memory_space<hbm>>) target_semaphore(%arg14 : memref<!tpu.dma_semaphore, #tpu.memory_space<semaphore_mem>>)
    %dma_wait3A_374 = arith.constant 2 : i32
    %dma_wait3A_375 = arith.constant 0 : i32
    %dma_wait3A_376 = arith.constant 0 : i32
    %dma_wait3A_377 = arith.constant 0 : i32
    %dma_wait3A_378 = tpu.memref_slice %arg6[%dma_wait3A_374, %dma_wait3A_376, %dma_wait3A_377] : memref<6x128x128xf32, #tpu.memory_space<vmem>> -> memref<1x128x128xf32, #tpu.memory_space<vmem>>
    %dma_wait3A_379 = tpu.memref_squeeze %dma_wait3A_378 : memref<1x128x128xf32, #tpu.memory_space<vmem>> -> memref<128x128xf32, #tpu.memory_space<vmem>>
    %dma_wait3A_380 = arith.constant 0 : i32
    %dma_wait3A_381 = tpu.memref_slice %arg4[%dma_wait3A_375, %mul3A_2, %dma_wait3A_380] : memref<50x4096x128xf32, #tpu.memory_space<hbm>> -> memref<1x128x128xf32, #tpu.memory_space<hbm>>
    %dma_wait3A_382 = tpu.memref_squeeze %dma_wait3A_381 : memref<1x128x128xf32, #tpu.memory_space<hbm>> -> memref<128x128xf32, #tpu.memory_space<hbm>>
    %dma_wait3A_383 = arith.constant 0 : i32
    %dma_wait3A_384 = tpu.memref_slice %arg4[%dma_wait3A_375, %mul3A_2, %dma_wait3A_383] : memref<50x4096x128xf32, #tpu.memory_space<hbm>> -> memref<1x128x128xf32, #tpu.memory_space<hbm>>
    %dma_wait3A_385 = tpu.memref_squeeze %dma_wait3A_384 : memref<1x128x128xf32, #tpu.memory_space<hbm>> -> memref<128x128xf32, #tpu.memory_space<hbm>>
    %dma_wait3A_386 = arith.constant 0 : i32
    %dma_wait3A_387 = arith.constant 0 : i32
    %dma_wait3A_388 = tpu.memref_slice %arg6[%dma_wait3A_374, %dma_wait3A_386, %dma_wait3A_387] : memref<6x128x128xf32, #tpu.memory_space<vmem>> -> memref<1x128x128xf32, #tpu.memory_space<vmem>>
    %dma_wait3A_389 = tpu.memref_squeeze %dma_wait3A_388 : memref<1x128x128xf32, #tpu.memory_space<vmem>> -> memref<128x128xf32, #tpu.memory_space<vmem>>
    tpu.wait_dma2 semaphore(%arg15 : memref<!tpu.dma_semaphore, #tpu.memory_space<semaphore_mem>>) src(%dma_wait3A_389 : memref<128x128xf32, #tpu.memory_space<vmem>>) dst(%dma_wait3A_385 : memref<128x128xf32, #tpu.memory_space<hbm>>)
    %dma_wait3A_390 = arith.constant 3 : i32
    %dma_wait3A_391 = arith.constant 0 : i32
    %dma_wait3A_392 = arith.constant 0 : i32
    %dma_wait3A_393 = arith.constant 0 : i32
    %dma_wait3A_394 = tpu.memref_slice %arg6[%dma_wait3A_390, %dma_wait3A_392, %dma_wait3A_393] : memref<6x128x128xf32, #tpu.memory_space<vmem>> -> memref<1x128x128xf32, #tpu.memory_space<vmem>>
    %dma_wait3A_395 = tpu.memref_squeeze %dma_wait3A_394 : memref<1x128x128xf32, #tpu.memory_space<vmem>> -> memref<128x128xf32, #tpu.memory_space<vmem>>
    %dma_wait3A_396 = arith.constant 0 : i32
    %dma_wait3A_397 = tpu.memref_slice %arg4[%dma_wait3A_391, %mul3A_2, %dma_wait3A_396] : memref<50x4096x128xf32, #tpu.memory_space<hbm>> -> memref<1x128x128xf32, #tpu.memory_space<hbm>>
    %dma_wait3A_398 = tpu.memref_squeeze %dma_wait3A_397 : memref<1x128x128xf32, #tpu.memory_space<hbm>> -> memref<128x128xf32, #tpu.memory_space<hbm>>
    %dma_wait3A_399 = arith.constant 0 : i32
    %dma_wait3A_400 = tpu.memref_slice %arg4[%dma_wait3A_391, %mul3A_2, %dma_wait3A_399] : memref<50x4096x128xf32, #tpu.memory_space<hbm>> -> memref<1x128x128xf32, #tpu.memory_space<hbm>>
    %dma_wait3A_401 = tpu.memref_squeeze %dma_wait3A_400 : memref<1x128x128xf32, #tpu.memory_space<hbm>> -> memref<128x128xf32, #tpu.memory_space<hbm>>
    %dma_wait3A_402 = arith.constant 0 : i32
    %dma_wait3A_403 = arith.constant 0 : i32
    %dma_wait3A_404 = tpu.memref_slice %arg6[%dma_wait3A_390, %dma_wait3A_402, %dma_wait3A_403] : memref<6x128x128xf32, #tpu.memory_space<vmem>> -> memref<1x128x128xf32, #tpu.memory_space<vmem>>
    %dma_wait3A_405 = tpu.memref_squeeze %dma_wait3A_404 : memref<1x128x128xf32, #tpu.memory_space<vmem>> -> memref<128x128xf32, #tpu.memory_space<vmem>>
    tpu.wait_dma2 semaphore(%arg16 : memref<!tpu.dma_semaphore, #tpu.memory_space<semaphore_mem>>) src(%dma_wait3A_405 : memref<128x128xf32, #tpu.memory_space<vmem>>) dst(%dma_wait3A_401 : memref<128x128xf32, #tpu.memory_space<hbm>>)
    %dma_wait3A_406 = arith.constant 4 : i32
    %dma_wait3A_407 = arith.constant 0 : i32
    %dma_wait3A_408 = arith.constant 0 : i32
    %dma_wait3A_409 = arith.constant 0 : i32
    %dma_wait3A_410 = tpu.memref_slice %arg6[%dma_wait3A_406, %dma_wait3A_408, %dma_wait3A_409] : memref<6x128x128xf32, #tpu.memory_space<vmem>> -> memref<1x128x128xf32, #tpu.memory_space<vmem>>
    %dma_wait3A_411 = tpu.memref_squeeze %dma_wait3A_410 : memref<1x128x128xf32, #tpu.memory_space<vmem>> -> memref<128x128xf32, #tpu.memory_space<vmem>>
    %dma_wait3A_412 = arith.constant 0 : i32
    %dma_wait3A_413 = tpu.memref_slice %arg4[%dma_wait3A_407, %mul3A_2, %dma_wait3A_412] : memref<50x4096x128xf32, #tpu.memory_space<hbm>> -> memref<1x128x128xf32, #tpu.memory_space<hbm>>
    %dma_wait3A_414 = tpu.memref_squeeze %dma_wait3A_413 : memref<1x128x128xf32, #tpu.memory_space<hbm>> -> memref<128x128xf32, #tpu.memory_space<hbm>>
    %dma_wait3A_415 = arith.constant 0 : i32
    %dma_wait3A_416 = tpu.memref_slice %arg4[%dma_wait3A_407, %mul3A_2, %dma_wait3A_415] : memref<50x4096x128xf32, #tpu.memory_space<hbm>> -> memref<1x128x128xf32, #tpu.memory_space<hbm>>
    %dma_wait3A_417 = tpu.memref_squeeze %dma_wait3A_416 : memref<1x128x128xf32, #tpu.memory_space<hbm>> -> memref<128x128xf32, #tpu.memory_space<hbm>>
    %dma_wait3A_418 = arith.constant 0 : i32
    %dma_wait3A_419 = arith.constant 0 : i32
    %dma_wait3A_420 = tpu.memref_slice %arg6[%dma_wait3A_406, %dma_wait3A_418, %dma_wait3A_419] : memref<6x128x128xf32, #tpu.memory_space<vmem>> -> memref<1x128x128xf32, #tpu.memory_space<vmem>>
    %dma_wait3A_421 = tpu.memref_squeeze %dma_wait3A_420 : memref<1x128x128xf32, #tpu.memory_space<vmem>> -> memref<128x128xf32, #tpu.memory_space<vmem>>
    tpu.wait_dma2 semaphore(%arg17 : memref<!tpu.dma_semaphore, #tpu.memory_space<semaphore_mem>>) src(%dma_wait3A_421 : memref<128x128xf32, #tpu.memory_space<vmem>>) dst(%dma_wait3A_417 : memref<128x128xf32, #tpu.memory_space<hbm>>)
    %dma_wait3A_422 = arith.constant 5 : i32
    %dma_wait3A_423 = arith.constant 0 : i32
    %dma_wait3A_424 = arith.constant 0 : i32
    %dma_wait3A_425 = arith.constant 0 : i32
    %dma_wait3A_426 = tpu.memref_slice %arg6[%dma_wait3A_422, %dma_wait3A_424, %dma_wait3A_425] : memref<6x128x128xf32, #tpu.memory_space<vmem>> -> memref<1x128x128xf32, #tpu.memory_space<vmem>>
    %dma_wait3A_427 = tpu.memref_squeeze %dma_wait3A_426 : memref<1x128x128xf32, #tpu.memory_space<vmem>> -> memref<128x128xf32, #tpu.memory_space<vmem>>
    %dma_wait3A_428 = arith.constant 0 : i32
    %dma_wait3A_429 = tpu.memref_slice %arg4[%dma_wait3A_423, %mul3A_2, %dma_wait3A_428] : memref<50x4096x128xf32, #tpu.memory_space<hbm>> -> memref<1x128x128xf32, #tpu.memory_space<hbm>>
    %dma_wait3A_430 = tpu.memref_squeeze %dma_wait3A_429 : memref<1x128x128xf32, #tpu.memory_space<hbm>> -> memref<128x128xf32, #tpu.memory_space<hbm>>
    %dma_wait3A_431 = arith.constant 0 : i32
    %dma_wait3A_432 = tpu.memref_slice %arg4[%dma_wait3A_423, %mul3A_2, %dma_wait3A_431] : memref<50x4096x128xf32, #tpu.memory_space<hbm>> -> memref<1x128x128xf32, #tpu.memory_space<hbm>>
    %dma_wait3A_433 = tpu.memref_squeeze %dma_wait3A_432 : memref<1x128x128xf32, #tpu.memory_space<hbm>> -> memref<128x128xf32, #tpu.memory_space<hbm>>
    %dma_wait3A_434 = arith.constant 0 : i32
    %dma_wait3A_435 = arith.constant 0 : i32
    %dma_wait3A_436 = tpu.memref_slice %arg6[%dma_wait3A_422, %dma_wait3A_434, %dma_wait3A_435] : memref<6x128x128xf32, #tpu.memory_space<vmem>> -> memref<1x128x128xf32, #tpu.memory_space<vmem>>
    %dma_wait3A_437 = tpu.memref_squeeze %dma_wait3A_436 : memref<1x128x128xf32, #tpu.memory_space<vmem>> -> memref<128x128xf32, #tpu.memory_space<vmem>>
    tpu.wait_dma2 semaphore(%arg18 : memref<!tpu.dma_semaphore, #tpu.memory_space<semaphore_mem>>) src(%dma_wait3A_437 : memref<128x128xf32, #tpu.memory_space<vmem>>) dst(%dma_wait3A_433 : memref<128x128xf32, #tpu.memory_space<hbm>>)
    %dma_wait3A_438 = arith.constant 0 : i32
    %dma_wait3A_439 = arith.constant 0 : i32
    %dma_wait3A_440 = arith.constant 0 : i32
    %dma_wait3A_441 = arith.constant 0 : i32
    %dma_wait3A_442 = tpu.memref_slice %arg6[%dma_wait3A_438, %dma_wait3A_440, %dma_wait3A_441] : memref<6x128x128xf32, #tpu.memory_space<vmem>> -> memref<1x128x128xf32, #tpu.memory_space<vmem>>
    %dma_wait3A_443 = tpu.memref_squeeze %dma_wait3A_442 : memref<1x128x128xf32, #tpu.memory_space<vmem>> -> memref<128x128xf32, #tpu.memory_space<vmem>>
    %dma_wait3A_444 = arith.constant 0 : i32
    %dma_wait3A_445 = tpu.memref_slice %arg4[%dma_wait3A_439, %mul3A_2, %dma_wait3A_444] : memref<50x4096x128xf32, #tpu.memory_space<hbm>> -> memref<1x128x128xf32, #tpu.memory_space<hbm>>
    %dma_wait3A_446 = tpu.memref_squeeze %dma_wait3A_445 : memref<1x128x128xf32, #tpu.memory_space<hbm>> -> memref<128x128xf32, #tpu.memory_space<hbm>>
    %dma_wait3A_447 = arith.constant 0 : i32
    %dma_wait3A_448 = tpu.memref_slice %arg4[%dma_wait3A_439, %mul3A_2, %dma_wait3A_447] : memref<50x4096x128xf32, #tpu.memory_space<hbm>> -> memref<1x128x128xf32, #tpu.memory_space<hbm>>
    %dma_wait3A_449 = tpu.memref_squeeze %dma_wait3A_448 : memref<1x128x128xf32, #tpu.memory_space<hbm>> -> memref<128x128xf32, #tpu.memory_space<hbm>>
    %dma_wait3A_450 = arith.constant 0 : i32
    %dma_wait3A_451 = arith.constant 0 : i32
    %dma_wait3A_452 = tpu.memref_slice %arg6[%dma_wait3A_438, %dma_wait3A_450, %dma_wait3A_451] : memref<6x128x128xf32, #tpu.memory_space<vmem>> -> memref<1x128x128xf32, #tpu.memory_space<vmem>>
    %dma_wait3A_453 = tpu.memref_squeeze %dma_wait3A_452 : memref<1x128x128xf32, #tpu.memory_space<vmem>> -> memref<128x128xf32, #tpu.memory_space<vmem>>
    tpu.wait_dma2 semaphore(%arg13 : memref<!tpu.dma_semaphore, #tpu.memory_space<semaphore_mem>>) src(%dma_wait3A_453 : memref<128x128xf32, #tpu.memory_space<vmem>>) dst(%dma_wait3A_449 : memref<128x128xf32, #tpu.memory_space<hbm>>)
    %dma_wait3A_454 = arith.constant 1 : i32
    %dma_wait3A_455 = arith.constant 0 : i32
    %dma_wait3A_456 = arith.constant 0 : i32
    %dma_wait3A_457 = arith.constant 0 : i32
    %dma_wait3A_458 = tpu.memref_slice %arg6[%dma_wait3A_454, %dma_wait3A_456, %dma_wait3A_457] : memref<6x128x128xf32, #tpu.memory_space<vmem>> -> memref<1x128x128xf32, #tpu.memory_space<vmem>>
    %dma_wait3A_459 = tpu.memref_squeeze %dma_wait3A_458 : memref<1x128x128xf32, #tpu.memory_space<vmem>> -> memref<128x128xf32, #tpu.memory_space<vmem>>
    %dma_wait3A_460 = arith.constant 0 : i32
    %dma_wait3A_461 = tpu.memref_slice %arg4[%dma_wait3A_455, %mul3A_2, %dma_wait3A_460] : memref<50x4096x128xf32, #tpu.memory_space<hbm>> -> memref<1x128x128xf32, #tpu.memory_space<hbm>>
    %dma_wait3A_462 = tpu.memref_squeeze %dma_wait3A_461 : memref<1x128x128xf32, #tpu.memory_space<hbm>> -> memref<128x128xf32, #tpu.memory_space<hbm>>
    %dma_wait3A_463 = arith.constant 0 : i32
    %dma_wait3A_464 = tpu.memref_slice %arg4[%dma_wait3A_455, %mul3A_2, %dma_wait3A_463] : memref<50x4096x128xf32, #tpu.memory_space<hbm>> -> memref<1x128x128xf32, #tpu.memory_space<hbm>>
    %dma_wait3A_465 = tpu.memref_squeeze %dma_wait3A_464 : memref<1x128x128xf32, #tpu.memory_space<hbm>> -> memref<128x128xf32, #tpu.memory_space<hbm>>
    %dma_wait3A_466 = arith.constant 0 : i32
    %dma_wait3A_467 = arith.constant 0 : i32
    %dma_wait3A_468 = tpu.memref_slice %arg6[%dma_wait3A_454, %dma_wait3A_466, %dma_wait3A_467] : memref<6x128x128xf32, #tpu.memory_space<vmem>> -> memref<1x128x128xf32, #tpu.memory_space<vmem>>
    %dma_wait3A_469 = tpu.memref_squeeze %dma_wait3A_468 : memref<1x128x128xf32, #tpu.memory_space<vmem>> -> memref<128x128xf32, #tpu.memory_space<vmem>>
    tpu.wait_dma2 semaphore(%arg14 : memref<!tpu.dma_semaphore, #tpu.memory_space<semaphore_mem>>) src(%dma_wait3A_469 : memref<128x128xf32, #tpu.memory_space<vmem>>) dst(%dma_wait3A_465 : memref<128x128xf32, #tpu.memory_space<hbm>>)
    return
  }
}

</mosaic_0001>

<sc_bundles>
// kernel: kernel.3.cloned.1.call-start
scs
__scs_entry_jumppad:
0x0: {  	(pc) =	sbr.rel $0x88, $3  }
0x1: {  	(tag) =	ssettag $0x0;
	lr =	simm.s32 $0x1  }
0x2: {  	[smem:$0x3F9F] =	sst lr;
	_ =	strace $0xD0000000  }
0x3: {  	_ = 	snop  }
0x4: {  	_ = 	snop  }
0x5: {  	_ = 	snop  }
0x6: {  	_ = 	snop  }
0x7: {  	_ = 	snop  }
__scs_overlays_trampoline_lowered:
0x8: {  	[smem:$0x3FAE] =	sst s0  }
0x9: {  	[smem:$0x3FAF] =	sst s1  }
0xa: {  	[smem:$0x3FB0] =	sst s2  }
0xb: {  	[smem:$0x3FB1] =	sst s3  }
0xc: {  	[smem:$0x3FB2] =	sst s4  }
0xd: {  	[smem:$0x3FB3] =	sst s5  }
0xe: {  	[smem:$0x3FB4] =	sst s6  }
0xf: {  	[smem:$0x3FB5] =	sst s7  }
0x10: {  	[smem:$0x3FB6] =	sst s8  }
0x11: {  	[smem:$0x3FB7] =	sst s9;
	s0 =	simm.s32 @!p0 $0x0  }
0x12: {  	s1 =	sld [smem:$0x3F9D];
	s0 =	simm.s32 @p0 $0x1  }
0x13: {  	[smem:$0x3FB8] =	sst s0;
	s0 =	simm.s32 @!p1 $0x0  }
0x14: {  	s2 =	sld [smem:$0x3F9C];
	s0 =	simm.s32 @p1 $0x1  }
0x15: {  	[smem:$0x3FB9] =	sst s0;
	s0 =	simm.s32 @!p2 $0x0  }
0x16: {  	s3 =	sld [smem:$0x3FDB];
	s0 =	simm.s32 @p2 $0x1  }
0x17: {  	s4 =	simm.s32 $0x1BF5;
	[smem:$0x3FBB] =	sst s0  }
0x18: {  	s0 =	sld [smem:$0x3F9E];
	_ =	swait.ge [sflag:s4], $0x0  }
0x19: {  	s7 =	sld [smem:$0x3F9F]  }
0x1a: {  	s8 =	sadd.s32 $0xFFFFE003, lr  }
0x1b: {  	s9 =	sadd.s32 $0xFFFFFEF7, lr;
	s5 =	simm.s32 $0xFFFFFFFF;
	p2 =	slt.u32 s8, $0xFFFFF086  }
0x1c: {  	p1 =	slt.u32 s9, $0xF7A;
	s5 =	simm.s32 @!p2 $0x0  }
0x1d: {  	s5 =	simm.s32 @p1 $0x1;
	p0 =	seq.s32 s7, s2  }
0x1e: {  	s7 =	smul.u32 @!p0 $0xF7A, s2;
	p2 =	seq.s32 @!p0 s5, $0x0  }
0x1f: {  	s9 =	smul.u32 $0xF7A, s1;
	s8 =	simm.s32 @!p0 $0x1BF5;
	p2 =	por !p2, p0  }
0x20: {  	[sflag:s8] =	ssyncset.s32 @!p0 $0xFFFFF086;
	s6 =	sadd.s32 @!p0 s3, s7;
	s7 =	simm.s32 @!p0 $0x108  }
0x21: {  	s3 =	sadd.s32 s3, s9;
	s6 =	sadd.s32 @!p0 $0x88, s6;
	s7 =	simm.s32 @p2 $0x1082  }
0x22: {  	[simem:s7], [sflag:s8] =	dma.local @!p0 [hbm:s6], $0xF7A  }
0x23: {  	s9 =	sor.u32 $0xD0000000, s2;
	s6 =	simm.s32 $0x108;
	_ =	swait.ge @!p0 [sflag:s8], $0x0  }
0x24: {  	s3 =	sadd.s32 $0x88, s3;
	s6 =	simm.s32 @!p1 $0x1082;
	[sflag:s4] =	ssyncset.s32 $0xFFFFF086  }
0x25: {  	[simem:s6], [sflag:s4] =	dma.local [hbm:s3], $0xF7A  }
0x26: {  	[smem:$0x3F9F] =	sst s1;
	(tag) =	ssettag s2;
	_ =	strace s9  }
0x27: {  	s1 =	sld [smem:$0x3FAF]  }
0x28: {  	s2 =	sld [smem:$0x3FB0]  }
0x29: {  	s4 =	sld [smem:$0x3FB2]  }
0x2a: {  	p0 =	seq.s32 s5, $0x0;
	s5 =	sld [smem:$0x3FB3]  }
0x2b: {  	s6 =	sld [smem:$0x3FB4]  }
0x2c: {  	s7 =	sld [smem:$0x3FB5]  }
0x2d: {  	s3 =	simm.s32 $0x108;
	s8 =	sld [smem:$0x3FB6]  }
0x2e: {  	s3 =	simm.s32 @!p0 $0x1082;
	s9 =	sld [smem:$0x3FB7]  }
0x2f: {  	lr =	sadd.s32 s0, s3;
	s0 =	sld [smem:$0x3FAE]  }
0x30: {  	s3 =	sld [smem:$0x3FB1]  }
0x31: {  	[smem:$0x3FBA] =	sst s10  }
0x32: {  	s10 =	sld [smem:$0x3FB8];
	_ =	sdelay $0x3  }
0x33: {  	p0 =	seq.s32 s10, $0x1;
	s10 =	sld [smem:$0x3FBA];
	_ =	sdelay $0x3  }
0x34: {  	[smem:$0x3FBA] =	sst s10  }
0x35: {  	s10 =	sld [smem:$0x3FB9];
	_ =	sdelay $0x3  }
0x36: {  	p1 =	seq.s32 s10, $0x1;
	s10 =	sld [smem:$0x3FBA];
	_ =	sdelay $0x3  }
0x37: {  	[smem:$0x3FBA] =	sst s10  }
0x38: {  	s10 =	sld [smem:$0x3FBB]  }
0x39: {  	_ = 	snop;
	(pc) =	sbr.ind lr, $3  }
0x3a: {  	_ = 	snop  }
0x3b: {  	_ = 	snop  }
0x3c: {  	p2 =	seq.s32 s10, $0x1;
	s10 =	sld [smem:$0x3FBA]  }
0x3d: {  	_ =	shalt  }
0x3e: {  	_ =	shalt  }
0x3f: {  	_ =	shalt  }
0x40: {  	_ =	shalt  }
0x41: {  	_ =	shalt  }
0x42: {  	_ =	shalt  }
0x43: {  	_ =	shalt  }
0x44: {  	_ =	shalt  }
0x45: {  	_ =	shalt  }
0x46: {  	_ =	shalt  }
0x47: {  	_ =	shalt  }
0x48: {  	_ =	shalt  }
0x49: {  	_ =	shalt  }
0x4a: {  	_ =	shalt  }
0x4b: {  	_ =	shalt  }
0x4c: {  	_ =	shalt  }
0x4d: {  	_ =	shalt  }
0x4e: {  	_ =	shalt  }
0x4f: {  	_ =	shalt  }
0x50: {  	_ =	shalt  }
0x51: {  	_ =	shalt  }
0x52: {  	_ =	shalt  }
0x53: {  	_ =	shalt  }
0x54: {  	_ =	shalt  }
0x55: {  	_ =	shalt  }
0x56: {  	_ =	shalt  }
0x57: {  	_ =	shalt  }
0x58: {  	_ =	shalt  }
0x59: {  	_ =	shalt  }
0x5a: {  	_ =	shalt  }
0x5b: {  	_ =	shalt  }
0x5c: {  	_ =	shalt  }
0x5d: {  	_ =	shalt  }
0x5e: {  	_ =	shalt  }
0x5f: {  	_ =	shalt  }
0x60: {  	_ =	shalt  }
0x61: {  	_ =	shalt  }
0x62: {  	_ =	shalt  }
0x63: {  	_ =	shalt  }
0x64: {  	_ =	shalt  }
0x65: {  	_ =	shalt  }
0x66: {  	_ =	shalt  }
0x67: {  	_ =	shalt  }
0x68: {  	_ =	shalt  }
0x69: {  	_ =	shalt  }
0x6a: {  	_ =	shalt  }
0x6b: {  	_ =	shalt  }
0x6c: {  	_ =	shalt  }
0x6d: {  	_ =	shalt  }
0x6e: {  	_ =	shalt  }
0x6f: {  	_ =	shalt  }
0x70: {  	_ =	shalt  }
0x71: {  	_ =	shalt  }
0x72: {  	_ =	shalt  }
0x73: {  	_ =	shalt  }
0x74: {  	_ =	shalt  }
0x75: {  	_ =	shalt  }
0x76: {  	_ =	shalt  }
0x77: {  	_ =	shalt  }
0x78: {  	_ =	shalt  }
0x79: {  	_ =	shalt  }
0x7a: {  	_ =	shalt  }
0x7b: {  	_ =	shalt  }
0x7c: {  	_ =	shalt  }
0x7d: {  	_ =	shalt  }
0x7e: {  	_ =	shalt  }
0x7f: {  	_ =	shalt  }
0x80: {  	_ =	shalt  }
0x81: {  	_ =	shalt  }
0x82: {  	_ =	shalt  }
0x83: {  	_ =	shalt  }
0x84: {  	_ =	shalt  }
0x85: {  	_ =	shalt  }
0x86: {  	_ =	shalt  }
0x87: {  	_ =	shalt  }
.Lfunc_end0:
.L_simem_size_0:
called_computation_lowered:
.L_overlay_start_0:
0x88: {  	s2 =	sld [smem:$0x3FD9]  }
0x89: {  	s3 =	sld [smem:$0x3FFE];
	_ =	sdelay $0x1  }
0x8a: {  	s1 =	srdreg.scid  }
0x8b: {  	s0 =	sand.u32 $0x1, s1  }
0x8c: {  	s17 =	sshll.u32 s0, $0xA;
	s2 =	sadd.s32 s3, s2  }
0x8d: {  	s2 =	sadd.s32 s2, s17  }
0x8e: {  	[smem:$0x3FC6] =	sst s2  }
0x8f: {  	_ = 	snop  }
0x90: {  	s2 =	sld [smem:$0x3FC8]  }
0x91: {  	s18 =	sld [smem:$0x3FD0];
	(tm) =	ssettm $0x1  }
0x92: {  	s4 =	sld [smem:$0x3FFB];
	_ =	sdelay $0x3  }
0x93: {  	_ =	strace s4  }
0x94: {  	s4 =	sld [smem:$0x3FFC];
	_ =	sdelay $0x3  }
0x95: {  	_ =	strace s4  }
0x96: {  	s4 =	sld [smem:$0x3FFD];
	_ =	sdelay $0x3  }
0x97: {  	_ =	strace s4  }
0x98: {  	_ =	strace $0x8FFFFFFF  }
0x99: {  	s19 =	sld [smem:$0x3FDB];
	_ =	sdelay $0x1  }
0x9a: {  	s5 =	simm.s32 $_scs_section_size  }
0x9b: {  	s6 =	simm.s32 $_size__tile_overlayer_lowered;
	s7 =	simm.s32 $_tile_overlayer_lowered  }
0x9c: {  	s22 =	simm.s32 $0x1BFF;
	s21 =	sshll.u32 s7, $0x1;
	s4 =	sadd.s32 s5, s19  }
0x9d: {  	s8 =	simm.s32 $0x0;
	s20 =	sshll.u32 s6, $0x1;
	s6 =	sadd.s32 s21, s4  }
0x9e: {  	[timem:s8], [sflag:s22] =	dma.local [hbm:s6], s20  }
0x9f: {  	_ =	swait.ge [sflag:s22], s20  }
0xa0: {  	s5 =	ssub.s32 $0x0, s20;
	[sflag:s22] =	ssyncset.done $0x0  }
0xa1: {  	[sflag:s22] =	ssyncadd.s32 s5;
	_ =	sdelay $0x1  }
0xa2: {  	s23 =	simm.s32 $0x1B8B  }
0xa3: {  	_ =	swait.ge [sflag:s23], $0x1  }
0xa4: {  	[sflag:s23] =	ssyncset.done $0x0  }
0xa5: {  	s25 =	simm.s32 $0x1B8E;
	s24 =	sld [smem:$0x3FFE];
	[sflag:s23] =	ssyncadd.s32 $0xFFFFFFFF  }
0xa6: {  	s26 =	simm.s32 $execute0_lowered;
	[smem:$0x3FD2] =	sst s25  }
0xa7: {  	s6 =	sshll.u32 s26, $0x1;
	_ =	strace $0x80000046;
	[dreg:$0x1] =	wrdreg $0xFFFFFFFF  }
0xa8: {  	s28 =	simm.s32 $_size_execute0_lowered;
	s4 =	sadd.s32 s4, s6;
	[dreg:$0x0] =	wrdreg $0x0  }
0xa9: {  	s6 =	sshll.u32 s28, $0x1;
	[dreg:$0x2] =	wrdreg s4  }
0xaa: {  	[dreg:$0x3] =	wrdreg s6  }
0xab: {  	[dreg:$0x4] =	wrdreg $0xC0  }
0xac: {  	_ =	task [dreg:s8], $0x5FFFF  }
0xad: {  	[dreg:$0x1] =	wrdreg $0xFFFFFFFF  }
0xae: {  	[dreg:$0x0] =	wrdreg $0x60  }
0xaf: {  	[dreg:$0x2] =	wrdreg s24  }
0xb0: {  	[dreg:$0x3] =	wrdreg s2  }
0xb1: {  	[dreg:$0x4] =	wrdreg s18  }
0xb2: {  	[dreg:$0x5] =	wrdreg $0x9  }
0xb3: {  	_ =	task.clear_ibuf [dreg:s8], $0x6FFFF;
	_ =	strace $0x90000046  }
0xb4: {  	s29 =	simm.s32 $0x9;
	_ =	strace $0x80000048  }
0xb5: {  	_ =	swait.ge [sflag:s29], $0x1  }
0xb6: {  	[sflag:s29] =	ssyncadd.s32 $0xFFFFFFFF  }
0xb7: {  	_ =	strace $0x90000048  }
0xb8: {  	_ =	sfence  }
0xb9: {  	s30 =	sld [smem:$0x0];
	_ =	sdelay $0x2  }
0xba: {  	s31 =	sshll.u32 s1, $0xD;
	s1 =	sshrl.u32 s1, $0x2  }
0xbb: {  	s3 =	sand.u32 $0x4000, s31;
	s1 =	sadd.s32 s1, s30  }
0xbc: {  	s0 =	sor.u32 s3, s0;
	s1 =	sshll.u32 s1, $0x11  }
0xbd: {  	s0 =	sor.u32 s1, s0  }
0xbe: {  	s0 =	sadd.s32 $0x8F2B, s0  }
0xbf: {  	[sflag:s0] =	ssyncadd.remote.s32 $0x1  }
0xc0: {  	_ =	sfence.sel $0xFFFF  }
0xc1: {  	[dreg:$0x0] =	wrdreg $0xFFFFFFFF;
	(pc) =	sbr.abs _section_cstart, $3  }
0xc2: {  	[dreg:$0x1] =	wrdreg $0xFFFFFFFF  }
0xc3: {  	_ =	task.clear_ibuf [dreg:s8], $0x2FFFF;
	_ =	strace $0x9FFFFFFF  }
0xc4: {  	(tm) =	ssettm $0x7FFFFFFF  }
0xc5: {  	_ =	shalt  }
tec
execute0_lowered:
.L_overlay_start_1:
0x0: {  	(tag) =	ssettag $0x1  }
0x1: {  	s0 =	rddreg [dreg:$0x0]  }
0x2: {  	s2 =	rddreg [dreg:$0x1];
	s1 =	srdreg.scid  }
0x3: {  	s3 =	stileid.u32;
	s21 =	rddreg [dreg:$0x2]  }
0x4: {  	s4 =	simm.s32 $0x0;
	s1 =	sand.u32 $0x1, s1;
	s5 =	sshll.u32 s3, $0x1  }
0x5: {  	s31 =	simm.s32 $0x3;
	s30 =	simm.s32 $0x11900;
	s5 =	sor.u32 s1, s5  }
0x6: {  	s29 =	simm.s32 $0x9900;
	s6 =	smul.u32 $0x320, s5;
	s5 =	sshll.u32 s5, $0xB  }
0x7: {  	[smem:$0x7FF] =	sst s4;
	s13 =	sshll.u32 s3, $0xF;
	s5 =	sadd.s32 s21, s5  }
0x8: {  	_ =	strace $0x80000047;
	s9 =	sadd.s32 $0x10000, s5;
	[dreg:$0x5] =	wrdreg s5  }
0x9: {  	s7 =	ssub.s32 $0x2, s1;
	s10 =	sadd.s32 $0x20000, s5;
	[dreg:$0x6] =	wrdreg s9  }
0xa: {  	s1 =	sshll.u32 s1, $0xE;
	s11 =	sadd.s32 $0x2D0000, s5;
	[dreg:$0x7] =	wrdreg s10  }
0xb: {  	s8 =	sshrl.u32 s7, $0x1;
	s12 =	sadd.s32 $0x2E0000, s5;
	[dreg:$0x8] =	wrdreg s11  }
0xc: {  	s0 =	sadd.s32 s6, s0;
	s14 =	sadd.s32 $0x2F0000, s5;
	[dreg:$0x9] =	wrdreg s12  }
0xd: {  	s6 =	ssub.s32 s7, s8;
	s15 =	sadd.s32 $0x300000, s5;
	[dreg:$0xa] =	wrdreg s14  }
0xe: {  	s16 =	sadd.s32 $0x310000, s5;
	s7 =	simm.s32 $0x8;
	[dreg:$0xb] =	wrdreg s15  }
0xf: {  	s8 =	simm.s32 $0x5;
	s0 =	sadd.s32 $0x400, s0;
	[dreg:$0xc] =	wrdreg s16  }
0x10: {  	s19 =	smax.u32 s6, $0x1;
	s9 =	simm.s32 $0x9;
	s10 =	simm.s32 $0x6  }
0x11: {  	s11 =	simm.s32 $0xA;
	s12 =	simm.s32 $0xB;
	[dreg:$0x4] =	wrdreg s0  }
0x12: {  	s0 =	sor.u32 s1, s13;
	[dreg:$0xd] =	wrdreg s19;
	s13 =	simm.s32 $0xC  }
0x13: {  	s17 =	sor.u32 $0x280000, s0;
	s18 =	sor.u32 $0x200000, s0;
	s22 =	sor.u32 $0x180000, s0  }
0x14: {  	s23 =	sor.u32 $0x400000, s0;
	s24 =	sor.u32 $0x380000, s0;
	s0 =	sor.u32 $0x300000, s0  }
0x15: {  	s1 =	sshrl.u32 s17, $0x3;
	s5 =	sshrl.u32 s18, $0x3;
	s25 =	sshrl.u32 s23, $0x3  }
0x16: {  	s26 =	sshrl.u32 s24, $0x3;
	[dreg:$0x13] =	wrdreg s0;
	s1 =	sadd.s32 s1, s21  }
0x17: {  	s0 =	simm.s32 $0x2;
	s20 =	sadd.s32 s5, s21;
	[dreg:$0xe] =	wrdreg s1  }
0x18: {  	s28 =	sadd.s32 s26, s21;
	[dreg:$0xf] =	wrdreg s20;
	s1 =	sshrl.u32 s22, $0x3  }
0x19: {  	s5 =	simm.s32 $0x4;
	[dreg:$0x12] =	wrdreg s28;
	s1 =	sadd.s32 s1, s21  }
0x1a: {  	s22 =	simm.s32 $0x80;
	[dreg:$0x10] =	wrdreg s1;
	s1 =	sadd.s32 s25, s21  }
0x1b: {  	s25 =	simm.s32 $0x7;
	[dreg:$0x11] =	wrdreg s1;
	s1 =	simm.s32 $0x0  }
.LBB2_1:
0x1c: {  	[dreg:$0x14] =	wrdreg s1  }
0x1d: {  	s3 =	rddreg [dreg:$0x4];
	s20 =	simm.s32 $0xD  }
0x1e: {  	[tilespmem:s4], [sflag:$0xD] =	stream.linear.gather [hbm4b:s3+s4], $0x1900, $0x38;
	[tilespmem:$0x19900] =	vst v63  }
0x1f: {  	_ =	swait.ge [sflag:s20], $0x1900  }
0x20: {  	[sflag:s20] =	ssyncset.done $0x0  }
0x21: {  	s14 =	simm.s32 $0x1900;
	[sflag:s20] =	ssyncadd.s32 $0xFFFFE700  }
0x22: {  	[tilespmem:s14], [sflag:$0x1] =	stream.indirect.gather [hbm4b:s2+s22], $0x80, s4, s22, $0xb8;
	[tilespmem:$0x19900] =	vst v63  }
0x23: {  	s19 =	simm.s32 $0x5900  }
0x24: {  	[tilespmem:s19], [sflag:$0x2] =	stream.indirect.gather [hbm4b:s2+s22], $0x80, s22, s22, $0xb8;
	[tilespmem:$0x19900] =	vst v63  }
0x25: {  	s23 =	simm.s32 $0x100;
	s15 =	simm.s32 $0x9900  }
0x26: {  	[tilespmem:s15], [sflag:$0x3] =	stream.indirect.gather [hbm4b:s2+s22], $0x80, s23, s22, $0xb8;
	[tilespmem:$0x19900] =	vst v63  }
0x27: {  	s24 =	simm.s32 $0x180;
	s17 =	simm.s32 $0xD900;
	s23 =	simm.s32 $0x1  }
0x28: {  	[tilespmem:s17], [sflag:$0x4] =	stream.indirect.gather [hbm4b:s2+s22], $0x80, s24, s22, $0xb8;
	[tilespmem:$0x19900] =	vst v63  }
0x29: {  	_ =	swait.ge [sflag:s23], $0x4000  }
0x2a: {  	[sflag:s23] =	ssyncset.done $0x0  }
0x2b: {  	s26 =	rddreg [dreg:$0x5];
	[sflag:s23] =	ssyncadd.s32 $0xFFFFC000  }
0x2c: {  	[hbm4b:s26+s4] =	stream.linear.scatter [tilespmem:s14], [sflag:$0x7], $0x4000, $0x38;
	[tilespmem:$0x19900] =	vst v63  }
0x2d: {  	s28 =	simm.s32 $0x200;
	s20 =	simm.s32 $0x11900  }
0x2e: {  	[tilespmem:s20], [sflag:$0x5] =	stream.indirect.gather [hbm4b:s2+s22], $0x80, s28, s22, $0xb8;
	[tilespmem:$0x19900] =	vst v63  }
0x2f: {  	_ =	swait.ge [sflag:s0], $0x4000  }
0x30: {  	[sflag:s0] =	ssyncset.done $0x0  }
0x31: {  	s1 =	rddreg [dreg:$0x6];
	[sflag:s0] =	ssyncadd.s32 $0xFFFFC000  }
0x32: {  	[hbm4b:s1+s4] =	stream.linear.scatter [tilespmem:s19], [sflag:$0x8], $0x4000, $0x38;
	[tilespmem:$0x19900] =	vst v63  }
0x33: {  	s6 =	simm.s32 $0x280;
	s24 =	simm.s32 $0x15900  }
0x34: {  	[tilespmem:s24], [sflag:$0x6] =	stream.indirect.gather [hbm4b:s2+s22], $0x80, s6, s22, $0xb8;
	[tilespmem:$0x19900] =	vst v63  }
0x35: {  	_ =	swait.ge [sflag:s31], $0x4000  }
0x36: {  	[sflag:s31] =	ssyncset.done $0x0  }
0x37: {  	s16 =	rddreg [dreg:$0x7];
	[sflag:s31] =	ssyncadd.s32 $0xFFFFC000  }
0x38: {  	[hbm4b:s16+s4] =	stream.linear.scatter [tilespmem:s15], [sflag:$0x9], $0x4000, $0x38;
	[tilespmem:$0x19900] =	vst v63  }
0x39: {  	_ =	swait.ge [sflag:s25], $0x4000  }
0x3a: {  	[sflag:s25] =	ssyncset.done $0x0  }
0x3b: {  	s6 =	simm.s32 $0x300;
	[sflag:s25] =	ssyncadd.s32 $0xFFFFC000  }
0x3c: {  	[tilespmem:s14], [sflag:$0x1] =	stream.indirect.gather [hbm4b:s2+s22], $0x80, s6, s22, $0xb8;
	[tilespmem:$0x19900] =	vst v63  }
0x3d: {  	_ =	swait.ge [sflag:s5], $0x4000  }
0x3e: {  	[sflag:s5] =	ssyncset.done $0x0  }
0x3f: {  	s16 =	rddreg [dreg:$0x10];
	[sflag:s5] =	ssyncadd.s32 $0xFFFFC000  }
0x40: {  	[hbm4b:s16+s4] =	stream.linear.scatter [tilespmem:s17], [sflag:$0xA], $0x4000, $0x38;
	[tilespmem:$0x19900] =	vst v63  }
0x41: {  	_ =	swait.ge [sflag:s7], $0x4000  }
0x42: {  	[sflag:s7] =	ssyncset.done $0x0  }
0x43: {  	s18 =	simm.s32 $0x380;
	[sflag:s7] =	ssyncadd.s32 $0xFFFFC000  }
0x44: {  	[tilespmem:s19], [sflag:$0x2] =	stream.indirect.gather [hbm4b:s2+s22], $0x80, s18, s22, $0xb8;
	[tilespmem:$0x19900] =	vst v63  }
0x45: {  	_ =	swait.ge [sflag:s8], $0x4000  }
0x46: {  	[sflag:s8] =	ssyncset.done $0x0  }
0x47: {  	s18 =	rddreg [dreg:$0xf];
	[sflag:s8] =	ssyncadd.s32 $0xFFFFC000  }
0x48: {  	[hbm4b:s18+s4] =	stream.linear.scatter [tilespmem:s20], [sflag:$0xB], $0x4000, $0x38;
	[tilespmem:$0x19900] =	vst v63  }
0x49: {  	_ =	swait.ge [sflag:s9], $0x4000  }
0x4a: {  	[sflag:s9] =	ssyncset.done $0x0  }
0x4b: {  	s26 =	simm.s32 $0x400;
	[sflag:s9] =	ssyncadd.s32 $0xFFFFC000  }
0x4c: {  	[tilespmem:s15], [sflag:$0x3] =	stream.indirect.gather [hbm4b:s2+s22], $0x80, s26, s22, $0xb8;
	[tilespmem:$0x19900] =	vst v63  }
0x4d: {  	_ =	swait.ge [sflag:s10], $0x4000  }
0x4e: {  	[sflag:s10] =	ssyncset.done $0x0  }
0x4f: {  	s3 =	rddreg [dreg:$0xe];
	[sflag:s10] =	ssyncadd.s32 $0xFFFFC000  }
0x50: {  	[hbm4b:s3+s4] =	stream.linear.scatter [tilespmem:s24], [sflag:$0xC], $0x4000, $0x38;
	[tilespmem:$0x19900] =	vst v63  }
0x51: {  	_ =	swait.ge [sflag:s11], $0x4000  }
0x52: {  	[sflag:s11] =	ssyncset.done $0x0  }
0x53: {  	s28 =	simm.s32 $0x480;
	[sflag:s11] =	ssyncadd.s32 $0xFFFFC000  }
0x54: {  	[tilespmem:s17], [sflag:$0x4] =	stream.indirect.gather [hbm4b:s2+s22], $0x80, s28, s22, $0xb8;
	[tilespmem:$0x19900] =	vst v63  }
0x55: {  	_ =	swait.ge [sflag:s23], $0x4000  }
0x56: {  	s1 =	rddreg [dreg:$0x13]  }
0x57: {  	[sflag:s23] =	ssyncset.done $0x0;
	s15 =	sshrl.u32 s1, $0x3  }
0x58: {  	[sflag:s23] =	ssyncadd.s32 $0xFFFFC000;
	s6 =	sadd.s32 s21, s15  }
0x59: {  	[hbm4b:s6+s4] =	stream.linear.scatter [tilespmem:s14], [sflag:$0x7], $0x4000, $0x38;
	[tilespmem:$0x19900] =	vst v63  }
0x5a: {  	_ =	swait.ge [sflag:s12], $0x4000  }
0x5b: {  	[sflag:s12] =	ssyncset.done $0x0  }
0x5c: {  	s21 =	simm.s32 $0x500;
	[sflag:s12] =	ssyncadd.s32 $0xFFFFC000  }
0x5d: {  	[tilespmem:s20], [sflag:$0x5] =	stream.indirect.gather [hbm4b:s2+s22], $0x80, s21, s22, $0xb8;
	[tilespmem:$0x19900] =	vst v63  }
0x5e: {  	_ =	swait.ge [sflag:s0], $0x4000  }
0x5f: {  	[sflag:s0] =	ssyncset.done $0x0  }
0x60: {  	s23 =	rddreg [dreg:$0x12];
	[sflag:s0] =	ssyncadd.s32 $0xFFFFC000  }
0x61: {  	[hbm4b:s23+s4] =	stream.linear.scatter [tilespmem:s19], [sflag:$0x8], $0x4000, $0x38;
	[tilespmem:$0x19900] =	vst v63  }
0x62: {  	_ =	swait.ge [sflag:s13], $0x4000  }
0x63: {  	s16 =	sadd.s32 $0x60000, s16;
	s26 =	simm.s32 $0x580;
	[sflag:s13] =	ssyncset.done $0x0  }
0x64: {  	s15 =	sadd.s32 $0x300000, s1;
	s6 =	simm.s32 $0xC00;
	[sflag:s13] =	ssyncadd.s32 $0xFFFFC000  }
0x65: {  	[tilespmem:s24], [sflag:$0x6] =	stream.indirect.gather [hbm4b:s2+s22], $0x80, s26, s22, $0xb8;
	[tilespmem:$0x19900] =	vst v63  }
0x66: {  	s20 =	sadd.s32 $0x60000, s18;
	s21 =	sadd.s32 $0x60000, s23;
	_ =	swait.ge [sflag:s31], $0x4000  }
0x67: {  	s19 =	sadd.s32 $0x60000, s3;
	[sflag:s31] =	ssyncset.done $0x0;
	s28 =	rddreg [dreg:$0x11]  }
0x68: {  	s17 =	sadd.s32 $0x60000, s28;
	[sflag:s31] =	ssyncadd.s32 $0xFFFFC000;
	s18 =	smov.u32 s28  }
.LBB2_2:
0x69: {  	s1 =	simm.s32 $0x9900  }
0x6a: {  	[hbm4b:s18+s4] =	stream.linear.scatter [tilespmem:s1], [sflag:$0x9], $0x4000, $0x38;
	[tilespmem:$0x19900] =	vst v63  }
0x6b: {  	s14 =	smov.u32 s6;
	_ =	swait.ge [sflag:s25], $0x4000  }
0x6c: {  	s14 =	sshra.s32 s14, $0x2;
	[sflag:s25] =	ssyncset.done $0x0  }
0x6d: {  	s24 =	simm.s32 $0x1900;
	s3 =	sadd.s32 $0x300, s14;
	[sflag:s25] =	ssyncadd.s32 $0xFFFFC000  }
0x6e: {  	[tilespmem:s24], [sflag:$0x1] =	stream.indirect.gather [hbm4b:s2+s22], $0x80, s3, s22, $0xb8;
	[tilespmem:$0x19900] =	vst v63  }
0x6f: {  	_ =	swait.ge [sflag:s5], $0x4000  }
0x70: {  	[sflag:s5] =	ssyncset.done $0x0  }
0x71: {  	s28 =	simm.s32 $0xD900;
	[sflag:s5] =	ssyncadd.s32 $0xFFFFC000  }
0x72: {  	[hbm4b:s16+s4] =	stream.linear.scatter [tilespmem:s28], [sflag:$0xA], $0x4000, $0x38;
	[tilespmem:$0x19900] =	vst v63  }
0x73: {  	_ =	swait.ge [sflag:s7], $0x4000  }
0x74: {  	[sflag:s7] =	ssyncset.done $0x0  }
0x75: {  	s26 =	simm.s32 $0x5900;
	s23 =	sadd.s32 $0x380, s14;
	[sflag:s7] =	ssyncadd.s32 $0xFFFFC000  }
0x76: {  	[tilespmem:s26], [sflag:$0x2] =	stream.indirect.gather [hbm4b:s2+s22], $0x80, s23, s22, $0xb8;
	[tilespmem:$0x19900] =	vst v63  }
0x77: {  	_ =	swait.ge [sflag:s8], $0x4000  }
0x78: {  	[sflag:s8] =	ssyncset.done $0x0  }
0x79: {  	[sflag:s8] =	ssyncadd.s32 $0xFFFFC000  }
0x7a: {  	[hbm4b:s20+s4] =	stream.linear.scatter [tilespmem:s30], [sflag:$0xB], $0x4000, $0x38;
	[tilespmem:$0x19900] =	vst v63  }
0x7b: {  	_ =	swait.ge [sflag:s9], $0x4000  }
0x7c: {  	[sflag:s9] =	ssyncset.done $0x0  }
0x7d: {  	s23 =	sadd.s32 $0x400, s14;
	[sflag:s9] =	ssyncadd.s32 $0xFFFFC000  }
0x7e: {  	[tilespmem:s1], [sflag:$0x3] =	stream.indirect.gather [hbm4b:s2+s22], $0x80, s23, s22, $0xb8;
	[tilespmem:$0x19900] =	vst v63  }
0x7f: {  	_ =	swait.ge [sflag:s10], $0x4000  }
0x80: {  	[sflag:s10] =	ssyncset.done $0x0  }
0x81: {  	s23 =	simm.s32 $0x15900;
	[sflag:s10] =	ssyncadd.s32 $0xFFFFC000  }
0x82: {  	[hbm4b:s19+s4] =	stream.linear.scatter [tilespmem:s23], [sflag:$0xC], $0x4000, $0x38;
	[tilespmem:$0x19900] =	vst v63  }
0x83: {  	_ =	swait.ge [sflag:s11], $0x4000  }
0x84: {  	[sflag:s11] =	ssyncset.done $0x0  }
0x85: {  	s3 =	sadd.s32 $0x480, s14;
	[sflag:s11] =	ssyncadd.s32 $0xFFFFC000  }
0x86: {  	[tilespmem:s28], [sflag:$0x4] =	stream.indirect.gather [hbm4b:s2+s22], $0x80, s3, s22, $0xb8;
	[tilespmem:$0x19900] =	vst v63  }
0x87: {  	s28 =	simm.s32 $0x1  }
0x88: {  	_ =	swait.ge [sflag:s28], $0x4000  }
0x89: {  	[sflag:s28] =	ssyncset.done $0x0  }
0x8a: {  	[sflag:s28] =	ssyncadd.s32 $0xFFFFC000  }
0x8b: {  	s3 =	sshrl.u32 s15, $0x3;
	s28 =	rddreg [dreg:$0x2]  }
0x8c: {  	s3 =	sadd.s32 s28, s3  }
0x8d: {  	[hbm4b:s3+s4] =	stream.linear.scatter [tilespmem:s24], [sflag:$0x7], $0x4000, $0x38;
	[tilespmem:$0x19900] =	vst v63  }
0x8e: {  	_ =	swait.ge [sflag:s12], $0x4000  }
0x8f: {  	[sflag:s12] =	ssyncset.done $0x0  }
0x90: {  	s28 =	sadd.s32 $0x500, s14;
	[sflag:s12] =	ssyncadd.s32 $0xFFFFC000  }
0x91: {  	[tilespmem:s30], [sflag:$0x5] =	stream.indirect.gather [hbm4b:s2+s22], $0x80, s28, s22, $0xb8;
	[tilespmem:$0x19900] =	vst v63  }
0x92: {  	_ =	swait.ge [sflag:s0], $0x4000  }
0x93: {  	[sflag:s0] =	ssyncset.done $0x0  }
0x94: {  	p0 =	sne.s32 s6, $0x4800;
	s6 =	sadd.s32 $0xC00, s6;
	[sflag:s0] =	ssyncadd.s32 $0xFFFFC000  }
0x95: {  	[hbm4b:s21+s4] =	stream.linear.scatter [tilespmem:s26], [sflag:$0x8], $0x4000, $0x38;
	[tilespmem:$0x19900] =	vst v63  }
0x96: {  	s18 =	smov.u32 s17;
	s17 =	sadd.s32 $0x60000, s17;
	_ =	swait.ge [sflag:s13], $0x4000  }
0x97: {  	s16 =	sadd.s32 $0x60000, s16;
	s20 =	sadd.s32 $0x60000, s20;
	[sflag:s13] =	ssyncset.done $0x0  }
.Ltmp0:
0x98: {  	s28 =	sadd.s32 $0x580, s14;
	[sflag:s13] =	ssyncadd.s32 $0xFFFFC000;
	(pc) =	sbr.rel @p0 .LBB2_2-.Ltmp0, $4  }
0x99: {  	[tilespmem:s23], [sflag:$0x6] =	stream.indirect.gather [hbm4b:s2+s22], $0x80, s28, s22, $0xb8;
	[tilespmem:$0x19900] =	vst v63  }
0x9a: {  	s1 =	simm.s32 $0xD900;
	s19 =	sadd.s32 $0x60000, s19;
	_ =	swait.ge [sflag:s31], $0x4000  }
0x9b: {  	s15 =	sadd.s32 $0x300000, s15;
	s24 =	simm.s32 $0x11900;
	[sflag:s31] =	ssyncset.done $0x0  }
0x9c: {  	s26 =	simm.s32 $0x15900;
	s21 =	sadd.s32 $0x60000, s21;
	[sflag:s31] =	ssyncadd.s32 $0xFFFFC000  }
0x9d: {  	[hbm4b:s18+s4] =	stream.linear.scatter [tilespmem:s29], [sflag:$0x9], $0x4000, $0x38;
	[tilespmem:$0x19900] =	vst v63  }
0x9e: {  	_ =	swait.ge [sflag:s25], $0x4000  }
0x9f: {  	[sflag:s25] =	ssyncset.done $0x0  }
0xa0: {  	s6 =	simm.s32 $0x1900;
	s3 =	simm.s32 $0x1800;
	[sflag:s25] =	ssyncadd.s32 $0xFFFFC000  }
0xa1: {  	[tilespmem:s6], [sflag:$0x1] =	stream.indirect.gather [hbm4b:s2+s22], $0x80, s3, s22, $0xb8;
	[tilespmem:$0x19900] =	vst v63  }
0xa2: {  	_ =	swait.ge [sflag:s5], $0x4000  }
0xa3: {  	[sflag:s5] =	ssyncset.done $0x0  }
0xa4: {  	s17 =	rddreg [dreg:$0x8];
	[sflag:s5] =	ssyncadd.s32 $0xFFFFC000  }
0xa5: {  	[hbm4b:s17+s4] =	stream.linear.scatter [tilespmem:s1], [sflag:$0xA], $0x4000, $0x38;
	[tilespmem:$0x19900] =	vst v63  }
0xa6: {  	_ =	swait.ge [sflag:s7], $0x4000  }
0xa7: {  	[sflag:s7] =	ssyncset.done $0x0  }
0xa8: {  	s14 =	simm.s32 $0x5900;
	s18 =	simm.s32 $0x1880;
	[sflag:s7] =	ssyncadd.s32 $0xFFFFC000  }
0xa9: {  	[tilespmem:s14], [sflag:$0x2] =	stream.indirect.gather [hbm4b:s2+s22], $0x80, s18, s22, $0xb8;
	[tilespmem:$0x19900] =	vst v63  }
0xaa: {  	_ =	swait.ge [sflag:s8], $0x4000  }
0xab: {  	[sflag:s8] =	ssyncset.done $0x0  }
0xac: {  	s19 =	rddreg [dreg:$0x9];
	[sflag:s8] =	ssyncadd.s32 $0xFFFFC000  }
0xad: {  	[hbm4b:s19+s4] =	stream.linear.scatter [tilespmem:s24], [sflag:$0xB], $0x4000, $0x38;
	[tilespmem:$0x19900] =	vst v63  }
0xae: {  	_ =	swait.ge [sflag:s10], $0x4000  }
0xaf: {  	[sflag:s10] =	ssyncset.done $0x0  }
0xb0: {  	s21 =	simm.s32 $0x1;
	s20 =	rddreg [dreg:$0xa];
	[sflag:s10] =	ssyncadd.s32 $0xFFFFC000  }
0xb1: {  	[hbm4b:s20+s4] =	stream.linear.scatter [tilespmem:s26], [sflag:$0xC], $0x4000, $0x38;
	[tilespmem:$0x19900] =	vst v63  }
0xb2: {  	_ =	swait.ge [sflag:s21], $0x4000  }
0xb3: {  	[sflag:s21] =	ssyncset.done $0x0  }
0xb4: {  	s23 =	rddreg [dreg:$0xb];
	[sflag:s21] =	ssyncadd.s32 $0xFFFFC000  }
0xb5: {  	[hbm4b:s23+s4] =	stream.linear.scatter [tilespmem:s6], [sflag:$0x7], $0x4000, $0x38;
	[tilespmem:$0x19900] =	vst v63  }
0xb6: {  	_ =	swait.ge [sflag:s0], $0x4000  }
0xb7: {  	[sflag:s0] =	ssyncset.done $0x0  }
0xb8: {  	s24 =	rddreg [dreg:$0xc];
	[sflag:s0] =	ssyncadd.s32 $0xFFFFC000  }
0xb9: {  	[hbm4b:s24+s4] =	stream.linear.scatter [tilespmem:s14], [sflag:$0x8], $0x4000, $0x38;
	[tilespmem:$0x19900] =	vst v63  }
0xba: {  	_ =	swait.ge [sflag:s9], $0x4000  }
0xbb: {  	[sflag:s9] =	ssyncset.done $0x0  }
0xbc: {  	[sflag:s9] =	ssyncadd.s32 $0xFFFFC000  }
0xbd: {  	_ =	swait.ge [sflag:s11], $0x4000  }
0xbe: {  	[sflag:s11] =	ssyncset.done $0x0  }
0xbf: {  	[sflag:s11] =	ssyncadd.s32 $0xFFFFC000  }
0xc0: {  	_ =	swait.ge [sflag:s12], $0x4000  }
0xc1: {  	[sflag:s12] =	ssyncset.done $0x0  }
0xc2: {  	[sflag:s12] =	ssyncadd.s32 $0xFFFFC000  }
0xc3: {  	_ =	swait.ge [sflag:s13], $0x4000  }
0xc4: {  	[sflag:s13] =	ssyncset.done $0x0  }
0xc5: {  	[sflag:s13] =	ssyncadd.s32 $0xFFFFC000  }
0xc6: {  	_ =	swait.ge [sflag:s25], $0x4000  }
0xc7: {  	[sflag:s25] =	ssyncset.done $0x0  }
0xc8: {  	[sflag:s25] =	ssyncadd.s32 $0xFFFFC000  }
0xc9: {  	_ =	swait.ge [sflag:s7], $0x4000  }
0xca: {  	s26 =	rddreg [dreg:$0x14]  }
0xcb: {  	s28 =	rddreg [dreg:$0xd];
	s1 =	sadd.s32 $0x1, s26  }
0xcc: {  	p0 =	sne.s32 s1, s28  }
.Ltmp1:
0xcd: {  	_ = 	snop;
	(pc) =	sbr.rel @p0 .LBB2_1-.Ltmp1, $4  }
0xce: {  	_ = 	snop  }
0xcf: {  	[sflag:s7] =	ssyncset.done $0x0  }
0xd0: {  	[sflag:s7] =	ssyncadd.s32 $0xFFFFC000  }
0xd1: {  	s21 =	rddreg [dreg:$0x2]  }
0xd2: {  	_ =	sfence.sel $0x180000  }
0xd3: {  	[bflag:$0x0] =	sbarrier.arrive $0xFFFF  }
0xd4: {  	_ =	strace $0x90000047  }
0xd5: {  	s0 =	stileid.u32;
	[bflag:$0x2] =	sbarrier.arrive $0xFFFF  }
0xd6: {  	p0 =	sne.s32 s0, $0x0;
	s0 =	rddreg [dreg:$0x3]  }
0xd7: {  	s0 =	sadd.s32 @!p0 $0x100000, s0  }
0xd8: {  	[sflag:s0] =	ssyncadd.tile.s32 @!p0 $0x1;
	_ =	shalt  }
.Lfunc_end2:
_tile_overlayer_lowered:
.L_overlay_start_2:
0xd9: {  	(tag) =	ssettag $0x2  }
0xda: {  	s0 =	rddreg [dreg:$0x0];
	s2 =	stileid.u32  }
0xdb: {  	s1 =	rddreg [dreg:$0x1];
	p0 =	sne.s32 s2, $0x0  }
0xdc: {  	s3 =	rddreg [dreg:$0x2];
	[bflag:$0x3] =	sbarrier.arrive $0xFFFF;
	s2 =	simm.s32 @!p0 $0x1C0D  }
0xdd: {  	[timem:s3], [sflag:s2] =	dma.local @!p0 [hbm:s0], s1  }
0xde: {  	s0 =	simm.s32 @!p0 $0xD  }
0xdf: {  	_ =	swait.ge @!p0 [sflag:s0], s1  }
0xe0: {  	s1 =	ssub.s32 @!p0 $0x0, s1;
	[sflag:s0] =	ssyncset.done @!p0 $0x0  }
0xe1: {  	[sflag:s0] =	ssyncadd.s32 @!p0 s1  }
0xe2: {  	[bflag:$0x3] =	sbarrier.arrive $0xFFFF  }
0xe3: {  	_ =	shalt  }

</sc_bundles>
